<compile_context>
chip_gen: v7x
topology: tpu7x:2x2x1
jax: 0.10.2.dev20260603
libtpu: 0.0.44.dev20260713+nightly
codegen_flags: <defaults>
</compile_context>

<pallas_src>
import jax
import jax.numpy as jnp
from jax import lax
from jax.experimental import pallas as pl
from jax.experimental.pallas import tpu as pltpu
from jax.experimental.pallas import tpu_sc as plsc


def kernel(seq_len, emb):
    n = (emb.shape[0] + 1) // 2
    d = emb.shape[1]

    mesh = plsc.VectorSubcoreMesh(core_axis_name="c", subcore_axis_name="s")
    num_cores = mesh.num_cores
    num_workers = num_cores * mesh.num_subcores
    rows_per_w = n // num_workers
    win_rows = n + rows_per_w - 1

    @pl.kernel(
        out_type=jax.ShapeDtypeStruct((n * n * d,), emb.dtype),
        mesh=mesh,
        scratch_types=[
            pltpu.VMEM((win_rows * d,), emb.dtype),
            pltpu.SemaphoreType.DMA,
        ],
    )
    def rel_pos_kernel(emb_hbm, out_hbm, win_v, sem):
        wid = lax.axis_index("s") * num_cores + lax.axis_index("c")
        i0 = wid * rows_per_w
        win_start = n - rows_per_w - i0
        pltpu.sync_copy(emb_hbm.at[pl.ds(win_start * d, win_rows * d)], win_v)
        copies = []
        for k in range(rows_per_w):
            cp = pltpu.async_copy(
                win_v.at[pl.ds((rows_per_w - 1 - k) * d, n * d)],
                out_hbm.at[pl.ds((i0 + k) * n * d, n * d)],
                sem,
            )
            copies.append(cp)
        for cp in copies:
            cp.wait()

    return rel_pos_kernel(emb.reshape(-1)).reshape(n, n, d)

# --- scband reference (transcript-rebuilt; emitter-appended) ---
"""Pipeline reference for scband-relative-positional-encoding-22436909154702 (READ-ONLY COPY).

The authoritative reference and input builder live on the scoring server;
editing this copy changes nothing except your own understanding.
"""

import jax, jax.numpy as jnp
import numpy as np


def setup_inputs(seed: int = 0) -> dict:
    key = jax.random.key(seed)
    max_rel_pos = 511
    d_model = 128
    emb = jax.random.normal(key, (2 * max_rel_pos + 1, d_model), dtype=jnp.float32) * 0.02
    return {"seq_len": 512, "emb": emb}


def reference(seq_len, emb):
    # rel_pos[i, j] = j - i
    n = (emb.shape[0] + 1) // 2
    pos = jnp.arange(n)
    rel_pos = pos[None, :] - pos[:, None]
    # shift and clamp exactly as the torch module does (uses seq_len, not max_rel_pos)
    rel_pos = jnp.clip(rel_pos + seq_len - 1, 0, 2 * seq_len - 2)
    # embedding lookup: gather rows of the table -> [seq_len, seq_len, d_model]
    return jnp.take(emb, rel_pos, axis=0)

if __name__ == "__main__":
    import jax
    _d = setup_inputs()
    print(jax.jit(kernel)(*tuple(_d.values())))

</pallas_src>

<mosaic_0001>
#map = affine_map<(d0, d1) -> (0)>
module attributes {stable_mosaic.version = 14 : i64} {
  func.func @rel_pos_kernel(%arg0: i32, %arg1: i32, %arg2: memref<130944xf32, #tpu.memory_space<hbm>>, %arg3: memref<33554432xf32, #tpu.memory_space<hbm>>, %arg4: memref<67456xf32, #tpu.memory_space<vmem>>, %arg5: memref<!tpu.dma_semaphore, #tpu.memory_space<semaphore_mem>>) attributes {dimension_semantics = [#tpu.dimension_semantics<core_parallel>, #tpu.dimension_semantics<subcore_parallel>], iteration_bounds = array<i64: 2, 16>, scalar_prefetch = 0 : i64, scratch_operands = 2 : i64, tpu.core_type = #tpu.core_type<sc_vector_subcore>, window_params = [{transform_indices = #map}, {transform_indices = #map}]} {
    %mul3A = arith.constant 2 : i32
    %mul3A_0 = arith.muli %arg1, %mul3A : i32
    %add3A = arith.addi %mul3A_0, %arg0 : i32
    %mul3A_1 = arith.constant 16 : i32
    %mul3A_2 = arith.muli %add3A, %mul3A_1 : i32
    %sub3A = arith.constant 496 : i32
    %sub3A_3 = arith.subi %sub3A, %mul3A_2 : i32
    %mul3A_4 = arith.constant 128 : i32
    %mul3A_5 = arith.muli %sub3A_3, %mul3A_4 : i32
    "tpu.region"() ({
      %run_scoped3A = tpu.sem_alloc : memref<!tpu.dma_semaphore, #tpu.memory_space<semaphore_mem>>
      %dma_start3A_292 = tpu.memref_slice %arg2[%mul3A_5] : memref<130944xf32, #tpu.memory_space<hbm>> -> memref<67456xf32, #tpu.memory_space<hbm>>
      %dma_start3A_293 = tpu.memref_slice %arg2[%mul3A_5] : memref<130944xf32, #tpu.memory_space<hbm>> -> memref<67456xf32, #tpu.memory_space<hbm>>
      tpu.enqueue_dma source(%dma_start3A_293 : memref<67456xf32, #tpu.memory_space<hbm>>) target(%arg4 : memref<67456xf32, #tpu.memory_space<vmem>>) target_semaphore(%run_scoped3A : memref<!tpu.dma_semaphore, #tpu.memory_space<semaphore_mem>>)
      %dma_wait3A_294 = tpu.memref_slice %arg2[%mul3A_5] : memref<130944xf32, #tpu.memory_space<hbm>> -> memref<67456xf32, #tpu.memory_space<hbm>>
      %dma_wait3A_295 = tpu.memref_slice %arg2[%mul3A_5] : memref<130944xf32, #tpu.memory_space<hbm>> -> memref<67456xf32, #tpu.memory_space<hbm>>
      tpu.wait_dma2 semaphore(%run_scoped3A : memref<!tpu.dma_semaphore, #tpu.memory_space<semaphore_mem>>) src(%dma_wait3A_295 : memref<67456xf32, #tpu.memory_space<hbm>>) dst(%arg4 : memref<67456xf32, #tpu.memory_space<vmem>>)
      tpu.yield
    }) : () -> ()
    %add3A_6 = arith.constant 0 : i32
    %add3A_7 = arith.addi %mul3A_2, %add3A_6 : i32
    %mul3A_8 = arith.constant 512 : i32
    %mul3A_9 = arith.muli %add3A_7, %mul3A_8 : i32
    %mul3A_10 = arith.constant 128 : i32
    %mul3A_11 = arith.muli %mul3A_9, %mul3A_10 : i32
    %dma_start3A = arith.constant 1920 : i32
    %dma_start3A_12 = tpu.memref_slice %arg4[%dma_start3A] : memref<67456xf32, #tpu.memory_space<vmem>> -> memref<65536xf32, #tpu.memory_space<vmem>>
    %dma_start3A_13 = tpu.memref_slice %arg3[%mul3A_11] : memref<33554432xf32, #tpu.memory_space<hbm>> -> memref<65536xf32, #tpu.memory_space<hbm>>
    %dma_start3A_14 = tpu.memref_slice %arg3[%mul3A_11] : memref<33554432xf32, #tpu.memory_space<hbm>> -> memref<65536xf32, #tpu.memory_space<hbm>>
    %dma_start3A_15 = arith.constant 1920 : i32
    %dma_start3A_16 = tpu.memref_slice %arg4[%dma_start3A_15] : memref<67456xf32, #tpu.memory_space<vmem>> -> memref<65536xf32, #tpu.memory_space<vmem>>
    tpu.enqueue_dma source(%dma_start3A_16 : memref<65536xf32, #tpu.memory_space<vmem>>) target(%dma_start3A_14 : memref<65536xf32, #tpu.memory_space<hbm>>) target_semaphore(%arg5 : memref<!tpu.dma_semaphore, #tpu.memory_space<semaphore_mem>>)
    %add3A_17 = arith.constant 1 : i32
    %add3A_18 = arith.addi %mul3A_2, %add3A_17 : i32
    %mul3A_19 = arith.constant 512 : i32
    %mul3A_20 = arith.muli %add3A_18, %mul3A_19 : i32
    %mul3A_21 = arith.constant 128 : i32
    %mul3A_22 = arith.muli %mul3A_20, %mul3A_21 : i32
    %dma_start3A_23 = arith.constant 1792 : i32
    %dma_start3A_24 = tpu.memref_slice %arg4[%dma_start3A_23] : memref<67456xf32, #tpu.memory_space<vmem>> -> memref<65536xf32, #tpu.memory_space<vmem>>
    %dma_start3A_25 = tpu.memref_slice %arg3[%mul3A_22] : memref<33554432xf32, #tpu.memory_space<hbm>> -> memref<65536xf32, #tpu.memory_space<hbm>>
    %dma_start3A_26 = tpu.memref_slice %arg3[%mul3A_22] : memref<33554432xf32, #tpu.memory_space<hbm>> -> memref<65536xf32, #tpu.memory_space<hbm>>
    %dma_start3A_27 = arith.constant 1792 : i32
    %dma_start3A_28 = tpu.memref_slice %arg4[%dma_start3A_27] : memref<67456xf32, #tpu.memory_space<vmem>> -> memref<65536xf32, #tpu.memory_space<vmem>>
    tpu.enqueue_dma source(%dma_start3A_28 : memref<65536xf32, #tpu.memory_space<vmem>>) target(%dma_start3A_26 : memref<65536xf32, #tpu.memory_space<hbm>>) target_semaphore(%arg5 : memref<!tpu.dma_semaphore, #tpu.memory_space<semaphore_mem>>)
    %add3A_29 = arith.constant 2 : i32
    %add3A_30 = arith.addi %mul3A_2, %add3A_29 : i32
    %mul3A_31 = arith.constant 512 : i32
    %mul3A_32 = arith.muli %add3A_30, %mul3A_31 : i32
    %mul3A_33 = arith.constant 128 : i32
    %mul3A_34 = arith.muli %mul3A_32, %mul3A_33 : i32
    %dma_start3A_35 = arith.constant 1664 : i32
    %dma_start3A_36 = tpu.memref_slice %arg4[%dma_start3A_35] : memref<67456xf32, #tpu.memory_space<vmem>> -> memref<65536xf32, #tpu.memory_space<vmem>>
    %dma_start3A_37 = tpu.memref_slice %arg3[%mul3A_34] : memref<33554432xf32, #tpu.memory_space<hbm>> -> memref<65536xf32, #tpu.memory_space<hbm>>
    %dma_start3A_38 = tpu.memref_slice %arg3[%mul3A_34] : memref<33554432xf32, #tpu.memory_space<hbm>> -> memref<65536xf32, #tpu.memory_space<hbm>>
    %dma_start3A_39 = arith.constant 1664 : i32
    %dma_start3A_40 = tpu.memref_slice %arg4[%dma_start3A_39] : memref<67456xf32, #tpu.memory_space<vmem>> -> memref<65536xf32, #tpu.memory_space<vmem>>
    tpu.enqueue_dma source(%dma_start3A_40 : memref<65536xf32, #tpu.memory_space<vmem>>) target(%dma_start3A_38 : memref<65536xf32, #tpu.memory_space<hbm>>) target_semaphore(%arg5 : memref<!tpu.dma_semaphore, #tpu.memory_space<semaphore_mem>>)
    %add3A_41 = arith.constant 3 : i32
    %add3A_42 = arith.addi %mul3A_2, %add3A_41 : i32
    %mul3A_43 = arith.constant 512 : i32
    %mul3A_44 = arith.muli %add3A_42, %mul3A_43 : i32
    %mul3A_45 = arith.constant 128 : i32
    %mul3A_46 = arith.muli %mul3A_44, %mul3A_45 : i32
    %dma_start3A_47 = arith.constant 1536 : i32
    %dma_start3A_48 = tpu.memref_slice %arg4[%dma_start3A_47] : memref<67456xf32, #tpu.memory_space<vmem>> -> memref<65536xf32, #tpu.memory_space<vmem>>
    %dma_start3A_49 = tpu.memref_slice %arg3[%mul3A_46] : memref<33554432xf32, #tpu.memory_space<hbm>> -> memref<65536xf32, #tpu.memory_space<hbm>>
    %dma_start3A_50 = tpu.memref_slice %arg3[%mul3A_46] : memref<33554432xf32, #tpu.memory_space<hbm>> -> memref<65536xf32, #tpu.memory_space<hbm>>
    %dma_start3A_51 = arith.constant 1536 : i32
    %dma_start3A_52 = tpu.memref_slice %arg4[%dma_start3A_51] : memref<67456xf32, #tpu.memory_space<vmem>> -> memref<65536xf32, #tpu.memory_space<vmem>>
    tpu.enqueue_dma source(%dma_start3A_52 : memref<65536xf32, #tpu.memory_space<vmem>>) target(%dma_start3A_50 : memref<65536xf32, #tpu.memory_space<hbm>>) target_semaphore(%arg5 : memref<!tpu.dma_semaphore, #tpu.memory_space<semaphore_mem>>)
    %add3A_53 = arith.constant 4 : i32
    %add3A_54 = arith.addi %mul3A_2, %add3A_53 : i32
    %mul3A_55 = arith.constant 512 : i32
    %mul3A_56 = arith.muli %add3A_54, %mul3A_55 : i32
    %mul3A_57 = arith.constant 128 : i32
    %mul3A_58 = arith.muli %mul3A_56, %mul3A_57 : i32
    %dma_start3A_59 = arith.constant 1408 : i32
    %dma_start3A_60 = tpu.memref_slice %arg4[%dma_start3A_59] : memref<67456xf32, #tpu.memory_space<vmem>> -> memref<65536xf32, #tpu.memory_space<vmem>>
    %dma_start3A_61 = tpu.memref_slice %arg3[%mul3A_58] : memref<33554432xf32, #tpu.memory_space<hbm>> -> memref<65536xf32, #tpu.memory_space<hbm>>
    %dma_start3A_62 = tpu.memref_slice %arg3[%mul3A_58] : memref<33554432xf32, #tpu.memory_space<hbm>> -> memref<65536xf32, #tpu.memory_space<hbm>>
    %dma_start3A_63 = arith.constant 1408 : i32
    %dma_start3A_64 = tpu.memref_slice %arg4[%dma_start3A_63] : memref<67456xf32, #tpu.memory_space<vmem>> -> memref<65536xf32, #tpu.memory_space<vmem>>
    tpu.enqueue_dma source(%dma_start3A_64 : memref<65536xf32, #tpu.memory_space<vmem>>) target(%dma_start3A_62 : memref<65536xf32, #tpu.memory_space<hbm>>) target_semaphore(%arg5 : memref<!tpu.dma_semaphore, #tpu.memory_space<semaphore_mem>>)
    %add3A_65 = arith.constant 5 : i32
    %add3A_66 = arith.addi %mul3A_2, %add3A_65 : i32
    %mul3A_67 = arith.constant 512 : i32
    %mul3A_68 = arith.muli %add3A_66, %mul3A_67 : i32
    %mul3A_69 = arith.constant 128 : i32
    %mul3A_70 = arith.muli %mul3A_68, %mul3A_69 : i32
    %dma_start3A_71 = arith.constant 1280 : i32
    %dma_start3A_72 = tpu.memref_slice %arg4[%dma_start3A_71] : memref<67456xf32, #tpu.memory_space<vmem>> -> memref<65536xf32, #tpu.memory_space<vmem>>
    %dma_start3A_73 = tpu.memref_slice %arg3[%mul3A_70] : memref<33554432xf32, #tpu.memory_space<hbm>> -> memref<65536xf32, #tpu.memory_space<hbm>>
    %dma_start3A_74 = tpu.memref_slice %arg3[%mul3A_70] : memref<33554432xf32, #tpu.memory_space<hbm>> -> memref<65536xf32, #tpu.memory_space<hbm>>
    %dma_start3A_75 = arith.constant 1280 : i32
    %dma_start3A_76 = tpu.memref_slice %arg4[%dma_start3A_75] : memref<67456xf32, #tpu.memory_space<vmem>> -> memref<65536xf32, #tpu.memory_space<vmem>>
    tpu.enqueue_dma source(%dma_start3A_76 : memref<65536xf32, #tpu.memory_space<vmem>>) target(%dma_start3A_74 : memref<65536xf32, #tpu.memory_space<hbm>>) target_semaphore(%arg5 : memref<!tpu.dma_semaphore, #tpu.memory_space<semaphore_mem>>)
    %add3A_77 = arith.constant 6 : i32
    %add3A_78 = arith.addi %mul3A_2, %add3A_77 : i32
    %mul3A_79 = arith.constant 512 : i32
    %mul3A_80 = arith.muli %add3A_78, %mul3A_79 : i32
    %mul3A_81 = arith.constant 128 : i32
    %mul3A_82 = arith.muli %mul3A_80, %mul3A_81 : i32
    %dma_start3A_83 = arith.constant 1152 : i32
    %dma_start3A_84 = tpu.memref_slice %arg4[%dma_start3A_83] : memref<67456xf32, #tpu.memory_space<vmem>> -> memref<65536xf32, #tpu.memory_space<vmem>>
    %dma_start3A_85 = tpu.memref_slice %arg3[%mul3A_82] : memref<33554432xf32, #tpu.memory_space<hbm>> -> memref<65536xf32, #tpu.memory_space<hbm>>
    %dma_start3A_86 = tpu.memref_slice %arg3[%mul3A_82] : memref<33554432xf32, #tpu.memory_space<hbm>> -> memref<65536xf32, #tpu.memory_space<hbm>>
    %dma_start3A_87 = arith.constant 1152 : i32
    %dma_start3A_88 = tpu.memref_slice %arg4[%dma_start3A_87] : memref<67456xf32, #tpu.memory_space<vmem>> -> memref<65536xf32, #tpu.memory_space<vmem>>
    tpu.enqueue_dma source(%dma_start3A_88 : memref<65536xf32, #tpu.memory_space<vmem>>) target(%dma_start3A_86 : memref<65536xf32, #tpu.memory_space<hbm>>) target_semaphore(%arg5 : memref<!tpu.dma_semaphore, #tpu.memory_space<semaphore_mem>>)
    %add3A_89 = arith.constant 7 : i32
    %add3A_90 = arith.addi %mul3A_2, %add3A_89 : i32
    %mul3A_91 = arith.constant 512 : i32
    %mul3A_92 = arith.muli %add3A_90, %mul3A_91 : i32
    %mul3A_93 = arith.constant 128 : i32
    %mul3A_94 = arith.muli %mul3A_92, %mul3A_93 : i32
    %dma_start3A_95 = arith.constant 1024 : i32
    %dma_start3A_96 = tpu.memref_slice %arg4[%dma_start3A_95] : memref<67456xf32, #tpu.memory_space<vmem>> -> memref<65536xf32, #tpu.memory_space<vmem>>
    %dma_start3A_97 = tpu.memref_slice %arg3[%mul3A_94] : memref<33554432xf32, #tpu.memory_space<hbm>> -> memref<65536xf32, #tpu.memory_space<hbm>>
    %dma_start3A_98 = tpu.memref_slice %arg3[%mul3A_94] : memref<33554432xf32, #tpu.memory_space<hbm>> -> memref<65536xf32, #tpu.memory_space<hbm>>
    %dma_start3A_99 = arith.constant 1024 : i32
    %dma_start3A_100 = tpu.memref_slice %arg4[%dma_start3A_99] : memref<67456xf32, #tpu.memory_space<vmem>> -> memref<65536xf32, #tpu.memory_space<vmem>>
    tpu.enqueue_dma source(%dma_start3A_100 : memref<65536xf32, #tpu.memory_space<vmem>>) target(%dma_start3A_98 : memref<65536xf32, #tpu.memory_space<hbm>>) target_semaphore(%arg5 : memref<!tpu.dma_semaphore, #tpu.memory_space<semaphore_mem>>)
    %add3A_101 = arith.constant 8 : i32
    %add3A_102 = arith.addi %mul3A_2, %add3A_101 : i32
    %mul3A_103 = arith.constant 512 : i32
    %mul3A_104 = arith.muli %add3A_102, %mul3A_103 : i32
    %mul3A_105 = arith.constant 128 : i32
    %mul3A_106 = arith.muli %mul3A_104, %mul3A_105 : i32
    %dma_start3A_107 = arith.constant 896 : i32
    %dma_start3A_108 = tpu.memref_slice %arg4[%dma_start3A_107] : memref<67456xf32, #tpu.memory_space<vmem>> -> memref<65536xf32, #tpu.memory_space<vmem>>
    %dma_start3A_109 = tpu.memref_slice %arg3[%mul3A_106] : memref<33554432xf32, #tpu.memory_space<hbm>> -> memref<65536xf32, #tpu.memory_space<hbm>>
    %dma_start3A_110 = tpu.memref_slice %arg3[%mul3A_106] : memref<33554432xf32, #tpu.memory_space<hbm>> -> memref<65536xf32, #tpu.memory_space<hbm>>
    %dma_start3A_111 = arith.constant 896 : i32
    %dma_start3A_112 = tpu.memref_slice %arg4[%dma_start3A_111] : memref<67456xf32, #tpu.memory_space<vmem>> -> memref<65536xf32, #tpu.memory_space<vmem>>
    tpu.enqueue_dma source(%dma_start3A_112 : memref<65536xf32, #tpu.memory_space<vmem>>) target(%dma_start3A_110 : memref<65536xf32, #tpu.memory_space<hbm>>) target_semaphore(%arg5 : memref<!tpu.dma_semaphore, #tpu.memory_space<semaphore_mem>>)
    %add3A_113 = arith.constant 9 : i32
    %add3A_114 = arith.addi %mul3A_2, %add3A_113 : i32
    %mul3A_115 = arith.constant 512 : i32
    %mul3A_116 = arith.muli %add3A_114, %mul3A_115 : i32
    %mul3A_117 = arith.constant 128 : i32
    %mul3A_118 = arith.muli %mul3A_116, %mul3A_117 : i32
    %dma_start3A_119 = arith.constant 768 : i32
    %dma_start3A_120 = tpu.memref_slice %arg4[%dma_start3A_119] : memref<67456xf32, #tpu.memory_space<vmem>> -> memref<65536xf32, #tpu.memory_space<vmem>>
    %dma_start3A_121 = tpu.memref_slice %arg3[%mul3A_118] : memref<33554432xf32, #tpu.memory_space<hbm>> -> memref<65536xf32, #tpu.memory_space<hbm>>
    %dma_start3A_122 = tpu.memref_slice %arg3[%mul3A_118] : memref<33554432xf32, #tpu.memory_space<hbm>> -> memref<65536xf32, #tpu.memory_space<hbm>>
    %dma_start3A_123 = arith.constant 768 : i32
    %dma_start3A_124 = tpu.memref_slice %arg4[%dma_start3A_123] : memref<67456xf32, #tpu.memory_space<vmem>> -> memref<65536xf32, #tpu.memory_space<vmem>>
    tpu.enqueue_dma source(%dma_start3A_124 : memref<65536xf32, #tpu.memory_space<vmem>>) target(%dma_start3A_122 : memref<65536xf32, #tpu.memory_space<hbm>>) target_semaphore(%arg5 : memref<!tpu.dma_semaphore, #tpu.memory_space<semaphore_mem>>)
    %add3A_125 = arith.constant 10 : i32
    %add3A_126 = arith.addi %mul3A_2, %add3A_125 : i32
    %mul3A_127 = arith.constant 512 : i32
    %mul3A_128 = arith.muli %add3A_126, %mul3A_127 : i32
    %mul3A_129 = arith.constant 128 : i32
    %mul3A_130 = arith.muli %mul3A_128, %mul3A_129 : i32
    %dma_start3A_131 = arith.constant 640 : i32
    %dma_start3A_132 = tpu.memref_slice %arg4[%dma_start3A_131] : memref<67456xf32, #tpu.memory_space<vmem>> -> memref<65536xf32, #tpu.memory_space<vmem>>
    %dma_start3A_133 = tpu.memref_slice %arg3[%mul3A_130] : memref<33554432xf32, #tpu.memory_space<hbm>> -> memref<65536xf32, #tpu.memory_space<hbm>>
    %dma_start3A_134 = tpu.memref_slice %arg3[%mul3A_130] : memref<33554432xf32, #tpu.memory_space<hbm>> -> memref<65536xf32, #tpu.memory_space<hbm>>
    %dma_start3A_135 = arith.constant 640 : i32
    %dma_start3A_136 = tpu.memref_slice %arg4[%dma_start3A_135] : memref<67456xf32, #tpu.memory_space<vmem>> -> memref<65536xf32, #tpu.memory_space<vmem>>
    tpu.enqueue_dma source(%dma_start3A_136 : memref<65536xf32, #tpu.memory_space<vmem>>) target(%dma_start3A_134 : memref<65536xf32, #tpu.memory_space<hbm>>) target_semaphore(%arg5 : memref<!tpu.dma_semaphore, #tpu.memory_space<semaphore_mem>>)
    %add3A_137 = arith.constant 11 : i32
    %add3A_138 = arith.addi %mul3A_2, %add3A_137 : i32
    %mul3A_139 = arith.constant 512 : i32
    %mul3A_140 = arith.muli %add3A_138, %mul3A_139 : i32
    %mul3A_141 = arith.constant 128 : i32
    %mul3A_142 = arith.muli %mul3A_140, %mul3A_141 : i32
    %dma_start3A_143 = arith.constant 512 : i32
    %dma_start3A_144 = tpu.memref_slice %arg4[%dma_start3A_143] : memref<67456xf32, #tpu.memory_space<vmem>> -> memref<65536xf32, #tpu.memory_space<vmem>>
    %dma_start3A_145 = tpu.memref_slice %arg3[%mul3A_142] : memref<33554432xf32, #tpu.memory_space<hbm>> -> memref<65536xf32, #tpu.memory_space<hbm>>
    %dma_start3A_146 = tpu.memref_slice %arg3[%mul3A_142] : memref<33554432xf32, #tpu.memory_space<hbm>> -> memref<65536xf32, #tpu.memory_space<hbm>>
    %dma_start3A_147 = arith.constant 512 : i32
    %dma_start3A_148 = tpu.memref_slice %arg4[%dma_start3A_147] : memref<67456xf32, #tpu.memory_space<vmem>> -> memref<65536xf32, #tpu.memory_space<vmem>>
    tpu.enqueue_dma source(%dma_start3A_148 : memref<65536xf32, #tpu.memory_space<vmem>>) target(%dma_start3A_146 : memref<65536xf32, #tpu.memory_space<hbm>>) target_semaphore(%arg5 : memref<!tpu.dma_semaphore, #tpu.memory_space<semaphore_mem>>)
    %add3A_149 = arith.constant 12 : i32
    %add3A_150 = arith.addi %mul3A_2, %add3A_149 : i32
    %mul3A_151 = arith.constant 512 : i32
    %mul3A_152 = arith.muli %add3A_150, %mul3A_151 : i32
    %mul3A_153 = arith.constant 128 : i32
    %mul3A_154 = arith.muli %mul3A_152, %mul3A_153 : i32
    %dma_start3A_155 = arith.constant 384 : i32
    %dma_start3A_156 = tpu.memref_slice %arg4[%dma_start3A_155] : memref<67456xf32, #tpu.memory_space<vmem>> -> memref<65536xf32, #tpu.memory_space<vmem>>
    %dma_start3A_157 = tpu.memref_slice %arg3[%mul3A_154] : memref<33554432xf32, #tpu.memory_space<hbm>> -> memref<65536xf32, #tpu.memory_space<hbm>>
    %dma_start3A_158 = tpu.memref_slice %arg3[%mul3A_154] : memref<33554432xf32, #tpu.memory_space<hbm>> -> memref<65536xf32, #tpu.memory_space<hbm>>
    %dma_start3A_159 = arith.constant 384 : i32
    %dma_start3A_160 = tpu.memref_slice %arg4[%dma_start3A_159] : memref<67456xf32, #tpu.memory_space<vmem>> -> memref<65536xf32, #tpu.memory_space<vmem>>
    tpu.enqueue_dma source(%dma_start3A_160 : memref<65536xf32, #tpu.memory_space<vmem>>) target(%dma_start3A_158 : memref<65536xf32, #tpu.memory_space<hbm>>) target_semaphore(%arg5 : memref<!tpu.dma_semaphore, #tpu.memory_space<semaphore_mem>>)
    %add3A_161 = arith.constant 13 : i32
    %add3A_162 = arith.addi %mul3A_2, %add3A_161 : i32
    %mul3A_163 = arith.constant 512 : i32
    %mul3A_164 = arith.muli %add3A_162, %mul3A_163 : i32
    %mul3A_165 = arith.constant 128 : i32
    %mul3A_166 = arith.muli %mul3A_164, %mul3A_165 : i32
    %dma_start3A_167 = arith.constant 256 : i32
    %dma_start3A_168 = tpu.memref_slice %arg4[%dma_start3A_167] : memref<67456xf32, #tpu.memory_space<vmem>> -> memref<65536xf32, #tpu.memory_space<vmem>>
    %dma_start3A_169 = tpu.memref_slice %arg3[%mul3A_166] : memref<33554432xf32, #tpu.memory_space<hbm>> -> memref<65536xf32, #tpu.memory_space<hbm>>
    %dma_start3A_170 = tpu.memref_slice %arg3[%mul3A_166] : memref<33554432xf32, #tpu.memory_space<hbm>> -> memref<65536xf32, #tpu.memory_space<hbm>>
    %dma_start3A_171 = arith.constant 256 : i32
    %dma_start3A_172 = tpu.memref_slice %arg4[%dma_start3A_171] : memref<67456xf32, #tpu.memory_space<vmem>> -> memref<65536xf32, #tpu.memory_space<vmem>>
    tpu.enqueue_dma source(%dma_start3A_172 : memref<65536xf32, #tpu.memory_space<vmem>>) target(%dma_start3A_170 : memref<65536xf32, #tpu.memory_space<hbm>>) target_semaphore(%arg5 : memref<!tpu.dma_semaphore, #tpu.memory_space<semaphore_mem>>)
    %add3A_173 = arith.constant 14 : i32
    %add3A_174 = arith.addi %mul3A_2, %add3A_173 : i32
    %mul3A_175 = arith.constant 512 : i32
    %mul3A_176 = arith.muli %add3A_174, %mul3A_175 : i32
    %mul3A_177 = arith.constant 128 : i32
    %mul3A_178 = arith.muli %mul3A_176, %mul3A_177 : i32
    %dma_start3A_179 = arith.constant 128 : i32
    %dma_start3A_180 = tpu.memref_slice %arg4[%dma_start3A_179] : memref<67456xf32, #tpu.memory_space<vmem>> -> memref<65536xf32, #tpu.memory_space<vmem>>
    %dma_start3A_181 = tpu.memref_slice %arg3[%mul3A_178] : memref<33554432xf32, #tpu.memory_space<hbm>> -> memref<65536xf32, #tpu.memory_space<hbm>>
    %dma_start3A_182 = tpu.memref_slice %arg3[%mul3A_178] : memref<33554432xf32, #tpu.memory_space<hbm>> -> memref<65536xf32, #tpu.memory_space<hbm>>
    %dma_start3A_183 = arith.constant 128 : i32
    %dma_start3A_184 = tpu.memref_slice %arg4[%dma_start3A_183] : memref<67456xf32, #tpu.memory_space<vmem>> -> memref<65536xf32, #tpu.memory_space<vmem>>
    tpu.enqueue_dma source(%dma_start3A_184 : memref<65536xf32, #tpu.memory_space<vmem>>) target(%dma_start3A_182 : memref<65536xf32, #tpu.memory_space<hbm>>) target_semaphore(%arg5 : memref<!tpu.dma_semaphore, #tpu.memory_space<semaphore_mem>>)
    %add3A_185 = arith.constant 15 : i32
    %add3A_186 = arith.addi %mul3A_2, %add3A_185 : i32
    %mul3A_187 = arith.constant 512 : i32
    %mul3A_188 = arith.muli %add3A_186, %mul3A_187 : i32
    %mul3A_189 = arith.constant 128 : i32
    %mul3A_190 = arith.muli %mul3A_188, %mul3A_189 : i32
    %dma_start3A_191 = arith.constant 0 : i32
    %dma_start3A_192 = tpu.memref_slice %arg4[%dma_start3A_191] : memref<67456xf32, #tpu.memory_space<vmem>> -> memref<65536xf32, #tpu.memory_space<vmem>>
    %dma_start3A_193 = tpu.memref_slice %arg3[%mul3A_190] : memref<33554432xf32, #tpu.memory_space<hbm>> -> memref<65536xf32, #tpu.memory_space<hbm>>
    %dma_start3A_194 = tpu.memref_slice %arg3[%mul3A_190] : memref<33554432xf32, #tpu.memory_space<hbm>> -> memref<65536xf32, #tpu.memory_space<hbm>>
    %dma_start3A_195 = arith.constant 0 : i32
    %dma_start3A_196 = tpu.memref_slice %arg4[%dma_start3A_195] : memref<67456xf32, #tpu.memory_space<vmem>> -> memref<65536xf32, #tpu.memory_space<vmem>>
    tpu.enqueue_dma source(%dma_start3A_196 : memref<65536xf32, #tpu.memory_space<vmem>>) target(%dma_start3A_194 : memref<65536xf32, #tpu.memory_space<hbm>>) target_semaphore(%arg5 : memref<!tpu.dma_semaphore, #tpu.memory_space<semaphore_mem>>)
    %dma_wait3A = arith.constant 1920 : i32
    %dma_wait3A_197 = tpu.memref_slice %arg4[%dma_wait3A] : memref<67456xf32, #tpu.memory_space<vmem>> -> memref<65536xf32, #tpu.memory_space<vmem>>
    %dma_wait3A_198 = tpu.memref_slice %arg3[%mul3A_11] : memref<33554432xf32, #tpu.memory_space<hbm>> -> memref<65536xf32, #tpu.memory_space<hbm>>
    %dma_wait3A_199 = tpu.memref_slice %arg3[%mul3A_11] : memref<33554432xf32, #tpu.memory_space<hbm>> -> memref<65536xf32, #tpu.memory_space<hbm>>
    %dma_wait3A_200 = arith.constant 1920 : i32
    %dma_wait3A_201 = tpu.memref_slice %arg4[%dma_wait3A_200] : memref<67456xf32, #tpu.memory_space<vmem>> -> memref<65536xf32, #tpu.memory_space<vmem>>
    tpu.wait_dma2 semaphore(%arg5 : memref<!tpu.dma_semaphore, #tpu.memory_space<semaphore_mem>>) src(%dma_wait3A_201 : memref<65536xf32, #tpu.memory_space<vmem>>) dst(%dma_wait3A_199 : memref<65536xf32, #tpu.memory_space<hbm>>)
    %dma_wait3A_202 = arith.constant 1792 : i32
    %dma_wait3A_203 = tpu.memref_slice %arg4[%dma_wait3A_202] : memref<67456xf32, #tpu.memory_space<vmem>> -> memref<65536xf32, #tpu.memory_space<vmem>>
    %dma_wait3A_204 = tpu.memref_slice %arg3[%mul3A_22] : memref<33554432xf32, #tpu.memory_space<hbm>> -> memref<65536xf32, #tpu.memory_space<hbm>>
    %dma_wait3A_205 = tpu.memref_slice %arg3[%mul3A_22] : memref<33554432xf32, #tpu.memory_space<hbm>> -> memref<65536xf32, #tpu.memory_space<hbm>>
    %dma_wait3A_206 = arith.constant 1792 : i32
    %dma_wait3A_207 = tpu.memref_slice %arg4[%dma_wait3A_206] : memref<67456xf32, #tpu.memory_space<vmem>> -> memref<65536xf32, #tpu.memory_space<vmem>>
    tpu.wait_dma2 semaphore(%arg5 : memref<!tpu.dma_semaphore, #tpu.memory_space<semaphore_mem>>) src(%dma_wait3A_207 : memref<65536xf32, #tpu.memory_space<vmem>>) dst(%dma_wait3A_205 : memref<65536xf32, #tpu.memory_space<hbm>>)
    %dma_wait3A_208 = arith.constant 1664 : i32
    %dma_wait3A_209 = tpu.memref_slice %arg4[%dma_wait3A_208] : memref<67456xf32, #tpu.memory_space<vmem>> -> memref<65536xf32, #tpu.memory_space<vmem>>
    %dma_wait3A_210 = tpu.memref_slice %arg3[%mul3A_34] : memref<33554432xf32, #tpu.memory_space<hbm>> -> memref<65536xf32, #tpu.memory_space<hbm>>
    %dma_wait3A_211 = tpu.memref_slice %arg3[%mul3A_34] : memref<33554432xf32, #tpu.memory_space<hbm>> -> memref<65536xf32, #tpu.memory_space<hbm>>
    %dma_wait3A_212 = arith.constant 1664 : i32
    %dma_wait3A_213 = tpu.memref_slice %arg4[%dma_wait3A_212] : memref<67456xf32, #tpu.memory_space<vmem>> -> memref<65536xf32, #tpu.memory_space<vmem>>
    tpu.wait_dma2 semaphore(%arg5 : memref<!tpu.dma_semaphore, #tpu.memory_space<semaphore_mem>>) src(%dma_wait3A_213 : memref<65536xf32, #tpu.memory_space<vmem>>) dst(%dma_wait3A_211 : memref<65536xf32, #tpu.memory_space<hbm>>)
    %dma_wait3A_214 = arith.constant 1536 : i32
    %dma_wait3A_215 = tpu.memref_slice %arg4[%dma_wait3A_214] : memref<67456xf32, #tpu.memory_space<vmem>> -> memref<65536xf32, #tpu.memory_space<vmem>>
    %dma_wait3A_216 = tpu.memref_slice %arg3[%mul3A_46] : memref<33554432xf32, #tpu.memory_space<hbm>> -> memref<65536xf32, #tpu.memory_space<hbm>>
    %dma_wait3A_217 = tpu.memref_slice %arg3[%mul3A_46] : memref<33554432xf32, #tpu.memory_space<hbm>> -> memref<65536xf32, #tpu.memory_space<hbm>>
    %dma_wait3A_218 = arith.constant 1536 : i32
    %dma_wait3A_219 = tpu.memref_slice %arg4[%dma_wait3A_218] : memref<67456xf32, #tpu.memory_space<vmem>> -> memref<65536xf32, #tpu.memory_space<vmem>>
    tpu.wait_dma2 semaphore(%arg5 : memref<!tpu.dma_semaphore, #tpu.memory_space<semaphore_mem>>) src(%dma_wait3A_219 : memref<65536xf32, #tpu.memory_space<vmem>>) dst(%dma_wait3A_217 : memref<65536xf32, #tpu.memory_space<hbm>>)
    %dma_wait3A_220 = arith.constant 1408 : i32
    %dma_wait3A_221 = tpu.memref_slice %arg4[%dma_wait3A_220] : memref<67456xf32, #tpu.memory_space<vmem>> -> memref<65536xf32, #tpu.memory_space<vmem>>
    %dma_wait3A_222 = tpu.memref_slice %arg3[%mul3A_58] : memref<33554432xf32, #tpu.memory_space<hbm>> -> memref<65536xf32, #tpu.memory_space<hbm>>
    %dma_wait3A_223 = tpu.memref_slice %arg3[%mul3A_58] : memref<33554432xf32, #tpu.memory_space<hbm>> -> memref<65536xf32, #tpu.memory_space<hbm>>
    %dma_wait3A_224 = arith.constant 1408 : i32
    %dma_wait3A_225 = tpu.memref_slice %arg4[%dma_wait3A_224] : memref<67456xf32, #tpu.memory_space<vmem>> -> memref<65536xf32, #tpu.memory_space<vmem>>
    tpu.wait_dma2 semaphore(%arg5 : memref<!tpu.dma_semaphore, #tpu.memory_space<semaphore_mem>>) src(%dma_wait3A_225 : memref<65536xf32, #tpu.memory_space<vmem>>) dst(%dma_wait3A_223 : memref<65536xf32, #tpu.memory_space<hbm>>)
    %dma_wait3A_226 = arith.constant 1280 : i32
    %dma_wait3A_227 = tpu.memref_slice %arg4[%dma_wait3A_226] : memref<67456xf32, #tpu.memory_space<vmem>> -> memref<65536xf32, #tpu.memory_space<vmem>>
    %dma_wait3A_228 = tpu.memref_slice %arg3[%mul3A_70] : memref<33554432xf32, #tpu.memory_space<hbm>> -> memref<65536xf32, #tpu.memory_space<hbm>>
    %dma_wait3A_229 = tpu.memref_slice %arg3[%mul3A_70] : memref<33554432xf32, #tpu.memory_space<hbm>> -> memref<65536xf32, #tpu.memory_space<hbm>>
    %dma_wait3A_230 = arith.constant 1280 : i32
    %dma_wait3A_231 = tpu.memref_slice %arg4[%dma_wait3A_230] : memref<67456xf32, #tpu.memory_space<vmem>> -> memref<65536xf32, #tpu.memory_space<vmem>>
    tpu.wait_dma2 semaphore(%arg5 : memref<!tpu.dma_semaphore, #tpu.memory_space<semaphore_mem>>) src(%dma_wait3A_231 : memref<65536xf32, #tpu.memory_space<vmem>>) dst(%dma_wait3A_229 : memref<65536xf32, #tpu.memory_space<hbm>>)
    %dma_wait3A_232 = arith.constant 1152 : i32
    %dma_wait3A_233 = tpu.memref_slice %arg4[%dma_wait3A_232] : memref<67456xf32, #tpu.memory_space<vmem>> -> memref<65536xf32, #tpu.memory_space<vmem>>
    %dma_wait3A_234 = tpu.memref_slice %arg3[%mul3A_82] : memref<33554432xf32, #tpu.memory_space<hbm>> -> memref<65536xf32, #tpu.memory_space<hbm>>
    %dma_wait3A_235 = tpu.memref_slice %arg3[%mul3A_82] : memref<33554432xf32, #tpu.memory_space<hbm>> -> memref<65536xf32, #tpu.memory_space<hbm>>
    %dma_wait3A_236 = arith.constant 1152 : i32
    %dma_wait3A_237 = tpu.memref_slice %arg4[%dma_wait3A_236] : memref<67456xf32, #tpu.memory_space<vmem>> -> memref<65536xf32, #tpu.memory_space<vmem>>
    tpu.wait_dma2 semaphore(%arg5 : memref<!tpu.dma_semaphore, #tpu.memory_space<semaphore_mem>>) src(%dma_wait3A_237 : memref<65536xf32, #tpu.memory_space<vmem>>) dst(%dma_wait3A_235 : memref<65536xf32, #tpu.memory_space<hbm>>)
    %dma_wait3A_238 = arith.constant 1024 : i32
    %dma_wait3A_239 = tpu.memref_slice %arg4[%dma_wait3A_238] : memref<67456xf32, #tpu.memory_space<vmem>> -> memref<65536xf32, #tpu.memory_space<vmem>>
    %dma_wait3A_240 = tpu.memref_slice %arg3[%mul3A_94] : memref<33554432xf32, #tpu.memory_space<hbm>> -> memref<65536xf32, #tpu.memory_space<hbm>>
    %dma_wait3A_241 = tpu.memref_slice %arg3[%mul3A_94] : memref<33554432xf32, #tpu.memory_space<hbm>> -> memref<65536xf32, #tpu.memory_space<hbm>>
    %dma_wait3A_242 = arith.constant 1024 : i32
    %dma_wait3A_243 = tpu.memref_slice %arg4[%dma_wait3A_242] : memref<67456xf32, #tpu.memory_space<vmem>> -> memref<65536xf32, #tpu.memory_space<vmem>>
    tpu.wait_dma2 semaphore(%arg5 : memref<!tpu.dma_semaphore, #tpu.memory_space<semaphore_mem>>) src(%dma_wait3A_243 : memref<65536xf32, #tpu.memory_space<vmem>>) dst(%dma_wait3A_241 : memref<65536xf32, #tpu.memory_space<hbm>>)
    %dma_wait3A_244 = arith.constant 896 : i32
    %dma_wait3A_245 = tpu.memref_slice %arg4[%dma_wait3A_244] : memref<67456xf32, #tpu.memory_space<vmem>> -> memref<65536xf32, #tpu.memory_space<vmem>>
    %dma_wait3A_246 = tpu.memref_slice %arg3[%mul3A_106] : memref<33554432xf32, #tpu.memory_space<hbm>> -> memref<65536xf32, #tpu.memory_space<hbm>>
    %dma_wait3A_247 = tpu.memref_slice %arg3[%mul3A_106] : memref<33554432xf32, #tpu.memory_space<hbm>> -> memref<65536xf32, #tpu.memory_space<hbm>>
    %dma_wait3A_248 = arith.constant 896 : i32
    %dma_wait3A_249 = tpu.memref_slice %arg4[%dma_wait3A_248] : memref<67456xf32, #tpu.memory_space<vmem>> -> memref<65536xf32, #tpu.memory_space<vmem>>
    tpu.wait_dma2 semaphore(%arg5 : memref<!tpu.dma_semaphore, #tpu.memory_space<semaphore_mem>>) src(%dma_wait3A_249 : memref<65536xf32, #tpu.memory_space<vmem>>) dst(%dma_wait3A_247 : memref<65536xf32, #tpu.memory_space<hbm>>)
    %dma_wait3A_250 = arith.constant 768 : i32
    %dma_wait3A_251 = tpu.memref_slice %arg4[%dma_wait3A_250] : memref<67456xf32, #tpu.memory_space<vmem>> -> memref<65536xf32, #tpu.memory_space<vmem>>
    %dma_wait3A_252 = tpu.memref_slice %arg3[%mul3A_118] : memref<33554432xf32, #tpu.memory_space<hbm>> -> memref<65536xf32, #tpu.memory_space<hbm>>
    %dma_wait3A_253 = tpu.memref_slice %arg3[%mul3A_118] : memref<33554432xf32, #tpu.memory_space<hbm>> -> memref<65536xf32, #tpu.memory_space<hbm>>
    %dma_wait3A_254 = arith.constant 768 : i32
    %dma_wait3A_255 = tpu.memref_slice %arg4[%dma_wait3A_254] : memref<67456xf32, #tpu.memory_space<vmem>> -> memref<65536xf32, #tpu.memory_space<vmem>>
    tpu.wait_dma2 semaphore(%arg5 : memref<!tpu.dma_semaphore, #tpu.memory_space<semaphore_mem>>) src(%dma_wait3A_255 : memref<65536xf32, #tpu.memory_space<vmem>>) dst(%dma_wait3A_253 : memref<65536xf32, #tpu.memory_space<hbm>>)
    %dma_wait3A_256 = arith.constant 640 : i32
    %dma_wait3A_257 = tpu.memref_slice %arg4[%dma_wait3A_256] : memref<67456xf32, #tpu.memory_space<vmem>> -> memref<65536xf32, #tpu.memory_space<vmem>>
    %dma_wait3A_258 = tpu.memref_slice %arg3[%mul3A_130] : memref<33554432xf32, #tpu.memory_space<hbm>> -> memref<65536xf32, #tpu.memory_space<hbm>>
    %dma_wait3A_259 = tpu.memref_slice %arg3[%mul3A_130] : memref<33554432xf32, #tpu.memory_space<hbm>> -> memref<65536xf32, #tpu.memory_space<hbm>>
    %dma_wait3A_260 = arith.constant 640 : i32
    %dma_wait3A_261 = tpu.memref_slice %arg4[%dma_wait3A_260] : memref<67456xf32, #tpu.memory_space<vmem>> -> memref<65536xf32, #tpu.memory_space<vmem>>
    tpu.wait_dma2 semaphore(%arg5 : memref<!tpu.dma_semaphore, #tpu.memory_space<semaphore_mem>>) src(%dma_wait3A_261 : memref<65536xf32, #tpu.memory_space<vmem>>) dst(%dma_wait3A_259 : memref<65536xf32, #tpu.memory_space<hbm>>)
    %dma_wait3A_262 = arith.constant 512 : i32
    %dma_wait3A_263 = tpu.memref_slice %arg4[%dma_wait3A_262] : memref<67456xf32, #tpu.memory_space<vmem>> -> memref<65536xf32, #tpu.memory_space<vmem>>
    %dma_wait3A_264 = tpu.memref_slice %arg3[%mul3A_142] : memref<33554432xf32, #tpu.memory_space<hbm>> -> memref<65536xf32, #tpu.memory_space<hbm>>
    %dma_wait3A_265 = tpu.memref_slice %arg3[%mul3A_142] : memref<33554432xf32, #tpu.memory_space<hbm>> -> memref<65536xf32, #tpu.memory_space<hbm>>
    %dma_wait3A_266 = arith.constant 512 : i32
    %dma_wait3A_267 = tpu.memref_slice %arg4[%dma_wait3A_266] : memref<67456xf32, #tpu.memory_space<vmem>> -> memref<65536xf32, #tpu.memory_space<vmem>>
    tpu.wait_dma2 semaphore(%arg5 : memref<!tpu.dma_semaphore, #tpu.memory_space<semaphore_mem>>) src(%dma_wait3A_267 : memref<65536xf32, #tpu.memory_space<vmem>>) dst(%dma_wait3A_265 : memref<65536xf32, #tpu.memory_space<hbm>>)
    %dma_wait3A_268 = arith.constant 384 : i32
    %dma_wait3A_269 = tpu.memref_slice %arg4[%dma_wait3A_268] : memref<67456xf32, #tpu.memory_space<vmem>> -> memref<65536xf32, #tpu.memory_space<vmem>>
    %dma_wait3A_270 = tpu.memref_slice %arg3[%mul3A_154] : memref<33554432xf32, #tpu.memory_space<hbm>> -> memref<65536xf32, #tpu.memory_space<hbm>>
    %dma_wait3A_271 = tpu.memref_slice %arg3[%mul3A_154] : memref<33554432xf32, #tpu.memory_space<hbm>> -> memref<65536xf32, #tpu.memory_space<hbm>>
    %dma_wait3A_272 = arith.constant 384 : i32
    %dma_wait3A_273 = tpu.memref_slice %arg4[%dma_wait3A_272] : memref<67456xf32, #tpu.memory_space<vmem>> -> memref<65536xf32, #tpu.memory_space<vmem>>
    tpu.wait_dma2 semaphore(%arg5 : memref<!tpu.dma_semaphore, #tpu.memory_space<semaphore_mem>>) src(%dma_wait3A_273 : memref<65536xf32, #tpu.memory_space<vmem>>) dst(%dma_wait3A_271 : memref<65536xf32, #tpu.memory_space<hbm>>)
    %dma_wait3A_274 = arith.constant 256 : i32
    %dma_wait3A_275 = tpu.memref_slice %arg4[%dma_wait3A_274] : memref<67456xf32, #tpu.memory_space<vmem>> -> memref<65536xf32, #tpu.memory_space<vmem>>
    %dma_wait3A_276 = tpu.memref_slice %arg3[%mul3A_166] : memref<33554432xf32, #tpu.memory_space<hbm>> -> memref<65536xf32, #tpu.memory_space<hbm>>
    %dma_wait3A_277 = tpu.memref_slice %arg3[%mul3A_166] : memref<33554432xf32, #tpu.memory_space<hbm>> -> memref<65536xf32, #tpu.memory_space<hbm>>
    %dma_wait3A_278 = arith.constant 256 : i32
    %dma_wait3A_279 = tpu.memref_slice %arg4[%dma_wait3A_278] : memref<67456xf32, #tpu.memory_space<vmem>> -> memref<65536xf32, #tpu.memory_space<vmem>>
    tpu.wait_dma2 semaphore(%arg5 : memref<!tpu.dma_semaphore, #tpu.memory_space<semaphore_mem>>) src(%dma_wait3A_279 : memref<65536xf32, #tpu.memory_space<vmem>>) dst(%dma_wait3A_277 : memref<65536xf32, #tpu.memory_space<hbm>>)
    %dma_wait3A_280 = arith.constant 128 : i32
    %dma_wait3A_281 = tpu.memref_slice %arg4[%dma_wait3A_280] : memref<67456xf32, #tpu.memory_space<vmem>> -> memref<65536xf32, #tpu.memory_space<vmem>>
    %dma_wait3A_282 = tpu.memref_slice %arg3[%mul3A_178] : memref<33554432xf32, #tpu.memory_space<hbm>> -> memref<65536xf32, #tpu.memory_space<hbm>>
    %dma_wait3A_283 = tpu.memref_slice %arg3[%mul3A_178] : memref<33554432xf32, #tpu.memory_space<hbm>> -> memref<65536xf32, #tpu.memory_space<hbm>>
    %dma_wait3A_284 = arith.constant 128 : i32
    %dma_wait3A_285 = tpu.memref_slice %arg4[%dma_wait3A_284] : memref<67456xf32, #tpu.memory_space<vmem>> -> memref<65536xf32, #tpu.memory_space<vmem>>
    tpu.wait_dma2 semaphore(%arg5 : memref<!tpu.dma_semaphore, #tpu.memory_space<semaphore_mem>>) src(%dma_wait3A_285 : memref<65536xf32, #tpu.memory_space<vmem>>) dst(%dma_wait3A_283 : memref<65536xf32, #tpu.memory_space<hbm>>)
    %dma_wait3A_286 = arith.constant 0 : i32
    %dma_wait3A_287 = tpu.memref_slice %arg4[%dma_wait3A_286] : memref<67456xf32, #tpu.memory_space<vmem>> -> memref<65536xf32, #tpu.memory_space<vmem>>
    %dma_wait3A_288 = tpu.memref_slice %arg3[%mul3A_190] : memref<33554432xf32, #tpu.memory_space<hbm>> -> memref<65536xf32, #tpu.memory_space<hbm>>
    %dma_wait3A_289 = tpu.memref_slice %arg3[%mul3A_190] : memref<33554432xf32, #tpu.memory_space<hbm>> -> memref<65536xf32, #tpu.memory_space<hbm>>
    %dma_wait3A_290 = arith.constant 0 : i32
    %dma_wait3A_291 = tpu.memref_slice %arg4[%dma_wait3A_290] : memref<67456xf32, #tpu.memory_space<vmem>> -> memref<65536xf32, #tpu.memory_space<vmem>>
    tpu.wait_dma2 semaphore(%arg5 : memref<!tpu.dma_semaphore, #tpu.memory_space<semaphore_mem>>) src(%dma_wait3A_291 : memref<65536xf32, #tpu.memory_space<vmem>>) dst(%dma_wait3A_289 : memref<65536xf32, #tpu.memory_space<hbm>>)
    return
  }
}

</mosaic_0001>

<sc_bundles>
// kernel: kernel.3.cloned.1.call-start
scs
__scs_entry_jumppad:
0x0: {  	(pc) =	sbr.rel $0x88, $3  }
0x1: {  	(tag) =	ssettag $0x0;
	lr =	simm.s32 $0x1  }
0x2: {  	[smem:$0x3FA0] =	sst lr;
	_ =	strace $0xD0000000  }
0x3: {  	_ = 	snop  }
0x4: {  	_ = 	snop  }
0x5: {  	_ = 	snop  }
0x6: {  	_ = 	snop  }
0x7: {  	_ = 	snop  }
__scs_overlays_trampoline_lowered:
0x8: {  	[smem:$0x3FAF] =	sst s0  }
0x9: {  	[smem:$0x3FB0] =	sst s1  }
0xa: {  	[smem:$0x3FB1] =	sst s2  }
0xb: {  	[smem:$0x3FB2] =	sst s3  }
0xc: {  	[smem:$0x3FB3] =	sst s4  }
0xd: {  	[smem:$0x3FB4] =	sst s5  }
0xe: {  	[smem:$0x3FB5] =	sst s6  }
0xf: {  	[smem:$0x3FB6] =	sst s7  }
0x10: {  	[smem:$0x3FB7] =	sst s8  }
0x11: {  	[smem:$0x3FB8] =	sst s9;
	s0 =	simm.s32 @!p0 $0x0  }
0x12: {  	s1 =	sld [smem:$0x3F9E];
	s0 =	simm.s32 @p0 $0x1  }
0x13: {  	[smem:$0x3FB9] =	sst s0;
	s0 =	simm.s32 @!p1 $0x0  }
0x14: {  	s2 =	sld [smem:$0x3F9D];
	s0 =	simm.s32 @p1 $0x1  }
0x15: {  	[smem:$0x3FBA] =	sst s0;
	s0 =	simm.s32 @!p2 $0x0  }
0x16: {  	s3 =	sld [smem:$0x3FDB];
	s0 =	simm.s32 @p2 $0x1  }
0x17: {  	s4 =	simm.s32 $0x1BF5;
	[smem:$0x3FBC] =	sst s0  }
0x18: {  	s0 =	sld [smem:$0x3F9F];
	_ =	swait.ge [sflag:s4], $0x0  }
0x19: {  	s7 =	sld [smem:$0x3FA0]  }
0x1a: {  	s8 =	sadd.s32 $0xFFFFE003, lr  }
0x1b: {  	s9 =	sadd.s32 $0xFFFFFEF7, lr;
	s5 =	simm.s32 $0xFFFFFFFF;
	p2 =	slt.u32 s8, $0xFFFFF086  }
0x1c: {  	p1 =	slt.u32 s9, $0xF7A;
	s5 =	simm.s32 @!p2 $0x0  }
0x1d: {  	s5 =	simm.s32 @p1 $0x1;
	p0 =	seq.s32 s7, s2  }
0x1e: {  	s7 =	smul.u32 @!p0 $0xF7A, s2;
	p2 =	seq.s32 @!p0 s5, $0x0  }
0x1f: {  	s9 =	smul.u32 $0xF7A, s1;
	s8 =	simm.s32 @!p0 $0x1BF5;
	p2 =	por !p2, p0  }
0x20: {  	[sflag:s8] =	ssyncset.s32 @!p0 $0xFFFFF086;
	s6 =	sadd.s32 @!p0 s3, s7;
	s7 =	simm.s32 @!p0 $0x108  }
0x21: {  	s3 =	sadd.s32 s3, s9;
	s6 =	sadd.s32 @!p0 $0x88, s6;
	s7 =	simm.s32 @p2 $0x1082  }
0x22: {  	[simem:s7], [sflag:s8] =	dma.local @!p0 [hbm:s6], $0xF7A  }
0x23: {  	s9 =	sor.u32 $0xD0000000, s2;
	s6 =	simm.s32 $0x108;
	_ =	swait.ge @!p0 [sflag:s8], $0x0  }
0x24: {  	s3 =	sadd.s32 $0x88, s3;
	s6 =	simm.s32 @!p1 $0x1082;
	[sflag:s4] =	ssyncset.s32 $0xFFFFF086  }
0x25: {  	[simem:s6], [sflag:s4] =	dma.local [hbm:s3], $0xF7A  }
0x26: {  	[smem:$0x3FA0] =	sst s1;
	(tag) =	ssettag s2;
	_ =	strace s9  }
0x27: {  	s1 =	sld [smem:$0x3FB0]  }
0x28: {  	s2 =	sld [smem:$0x3FB1]  }
0x29: {  	s4 =	sld [smem:$0x3FB3]  }
0x2a: {  	p0 =	seq.s32 s5, $0x0;
	s5 =	sld [smem:$0x3FB4]  }
0x2b: {  	s6 =	sld [smem:$0x3FB5]  }
0x2c: {  	s7 =	sld [smem:$0x3FB6]  }
0x2d: {  	s3 =	simm.s32 $0x108;
	s8 =	sld [smem:$0x3FB7]  }
0x2e: {  	s3 =	simm.s32 @!p0 $0x1082;
	s9 =	sld [smem:$0x3FB8]  }
0x2f: {  	lr =	sadd.s32 s0, s3;
	s0 =	sld [smem:$0x3FAF]  }
0x30: {  	s3 =	sld [smem:$0x3FB2]  }
0x31: {  	[smem:$0x3FBB] =	sst s10  }
0x32: {  	s10 =	sld [smem:$0x3FB9];
	_ =	sdelay $0x3  }
0x33: {  	p0 =	seq.s32 s10, $0x1;
	s10 =	sld [smem:$0x3FBB];
	_ =	sdelay $0x3  }
0x34: {  	[smem:$0x3FBB] =	sst s10  }
0x35: {  	s10 =	sld [smem:$0x3FBA];
	_ =	sdelay $0x3  }
0x36: {  	p1 =	seq.s32 s10, $0x1;
	s10 =	sld [smem:$0x3FBB];
	_ =	sdelay $0x3  }
0x37: {  	[smem:$0x3FBB] =	sst s10  }
0x38: {  	s10 =	sld [smem:$0x3FBC]  }
0x39: {  	_ = 	snop;
	(pc) =	sbr.ind lr, $3  }
0x3a: {  	_ = 	snop  }
0x3b: {  	_ = 	snop  }
0x3c: {  	p2 =	seq.s32 s10, $0x1;
	s10 =	sld [smem:$0x3FBB]  }
0x3d: {  	_ =	shalt  }
0x3e: {  	_ =	shalt  }
0x3f: {  	_ =	shalt  }
0x40: {  	_ =	shalt  }
0x41: {  	_ =	shalt  }
0x42: {  	_ =	shalt  }
0x43: {  	_ =	shalt  }
0x44: {  	_ =	shalt  }
0x45: {  	_ =	shalt  }
0x46: {  	_ =	shalt  }
0x47: {  	_ =	shalt  }
0x48: {  	_ =	shalt  }
0x49: {  	_ =	shalt  }
0x4a: {  	_ =	shalt  }
0x4b: {  	_ =	shalt  }
0x4c: {  	_ =	shalt  }
0x4d: {  	_ =	shalt  }
0x4e: {  	_ =	shalt  }
0x4f: {  	_ =	shalt  }
0x50: {  	_ =	shalt  }
0x51: {  	_ =	shalt  }
0x52: {  	_ =	shalt  }
0x53: {  	_ =	shalt  }
0x54: {  	_ =	shalt  }
0x55: {  	_ =	shalt  }
0x56: {  	_ =	shalt  }
0x57: {  	_ =	shalt  }
0x58: {  	_ =	shalt  }
0x59: {  	_ =	shalt  }
0x5a: {  	_ =	shalt  }
0x5b: {  	_ =	shalt  }
0x5c: {  	_ =	shalt  }
0x5d: {  	_ =	shalt  }
0x5e: {  	_ =	shalt  }
0x5f: {  	_ =	shalt  }
0x60: {  	_ =	shalt  }
0x61: {  	_ =	shalt  }
0x62: {  	_ =	shalt  }
0x63: {  	_ =	shalt  }
0x64: {  	_ =	shalt  }
0x65: {  	_ =	shalt  }
0x66: {  	_ =	shalt  }
0x67: {  	_ =	shalt  }
0x68: {  	_ =	shalt  }
0x69: {  	_ =	shalt  }
0x6a: {  	_ =	shalt  }
0x6b: {  	_ =	shalt  }
0x6c: {  	_ =	shalt  }
0x6d: {  	_ =	shalt  }
0x6e: {  	_ =	shalt  }
0x6f: {  	_ =	shalt  }
0x70: {  	_ =	shalt  }
0x71: {  	_ =	shalt  }
0x72: {  	_ =	shalt  }
0x73: {  	_ =	shalt  }
0x74: {  	_ =	shalt  }
0x75: {  	_ =	shalt  }
0x76: {  	_ =	shalt  }
0x77: {  	_ =	shalt  }
0x78: {  	_ =	shalt  }
0x79: {  	_ =	shalt  }
0x7a: {  	_ =	shalt  }
0x7b: {  	_ =	shalt  }
0x7c: {  	_ =	shalt  }
0x7d: {  	_ =	shalt  }
0x7e: {  	_ =	shalt  }
0x7f: {  	_ =	shalt  }
0x80: {  	_ =	shalt  }
0x81: {  	_ =	shalt  }
0x82: {  	_ =	shalt  }
0x83: {  	_ =	shalt  }
0x84: {  	_ =	shalt  }
0x85: {  	_ =	shalt  }
0x86: {  	_ =	shalt  }
0x87: {  	_ =	shalt  }
.Lfunc_end0:
.L_simem_size_0:
called_computation_lowered:
.L_overlay_start_0:
0x88: {  	s2 =	sld [smem:$0x3FD9]  }
0x89: {  	s3 =	sld [smem:$0x3FFE];
	_ =	sdelay $0x1  }
0x8a: {  	s1 =	srdreg.scid  }
0x8b: {  	s0 =	sand.u32 $0x1, s1  }
0x8c: {  	s18 =	sshll.u32 s0, $0xA;
	s2 =	sadd.s32 s3, s2  }
0x8d: {  	s2 =	sadd.s32 s2, s18  }
0x8e: {  	[smem:$0x3FC7] =	sst s2  }
0x8f: {  	_ = 	snop  }
0x90: {  	s2 =	sld [smem:$0x3FC9]  }
0x91: {  	s19 =	sld [smem:$0x3FD0];
	(tm) =	ssettm $0x1  }
0x92: {  	s4 =	sld [smem:$0x3FFB];
	_ =	sdelay $0x3  }
0x93: {  	_ =	strace s4  }
0x94: {  	s4 =	sld [smem:$0x3FFC];
	_ =	sdelay $0x3  }
0x95: {  	_ =	strace s4  }
0x96: {  	s4 =	sld [smem:$0x3FFD];
	_ =	sdelay $0x3  }
0x97: {  	_ =	strace s4  }
0x98: {  	_ =	strace $0x8FFFFFFF  }
0x99: {  	s20 =	sld [smem:$0x3FDB];
	_ =	sdelay $0x1  }
0x9a: {  	s5 =	simm.s32 $_scs_section_size  }
0x9b: {  	s6 =	simm.s32 $_size__tile_overlayer_lowered;
	s7 =	simm.s32 $_tile_overlayer_lowered  }
0x9c: {  	s23 =	simm.s32 $0x1BFF;
	s22 =	sshll.u32 s7, $0x1;
	s4 =	sadd.s32 s5, s20  }
0x9d: {  	s8 =	simm.s32 $0x0;
	s21 =	sshll.u32 s6, $0x1;
	s6 =	sadd.s32 s22, s4  }
0x9e: {  	[timem:s8], [sflag:s23] =	dma.local [hbm:s6], s21  }
0x9f: {  	_ =	swait.ge [sflag:s23], s21  }
0xa0: {  	s5 =	ssub.s32 $0x0, s21;
	[sflag:s23] =	ssyncset.done $0x0  }
0xa1: {  	[sflag:s23] =	ssyncadd.s32 s5;
	_ =	sdelay $0x1  }
0xa2: {  	s24 =	simm.s32 $0x1B8B  }
0xa3: {  	_ =	swait.ge [sflag:s24], $0x1  }
0xa4: {  	[sflag:s24] =	ssyncset.done $0x0  }
0xa5: {  	s25 =	simm.s32 $0x1B8E;
	[sflag:s24] =	ssyncadd.s32 $0xFFFFFFFF  }
0xa6: {  	s26 =	simm.s32 $execute0_lowered;
	[smem:$0x3FD2] =	sst s25  }
0xa7: {  	s5 =	sshll.u32 s26, $0x1;
	_ =	strace $0x80000046;
	[dreg:$0x1] =	wrdreg $0xFFFFFFFF  }
0xa8: {  	s28 =	simm.s32 $_size_execute0_lowered;
	s4 =	sadd.s32 s4, s5;
	[dreg:$0x0] =	wrdreg $0x0  }
0xa9: {  	s5 =	sshll.u32 s28, $0x1;
	[dreg:$0x2] =	wrdreg s4  }
0xaa: {  	[dreg:$0x3] =	wrdreg s5  }
0xab: {  	[dreg:$0x4] =	wrdreg $0xC0  }
0xac: {  	_ =	task [dreg:s8], $0x5FFFF  }
0xad: {  	[dreg:$0x1] =	wrdreg $0xFFFFFFFF  }
0xae: {  	[dreg:$0x0] =	wrdreg $0x60  }
0xaf: {  	[dreg:$0x2] =	wrdreg s2  }
0xb0: {  	[dreg:$0x3] =	wrdreg s19  }
0xb1: {  	[dreg:$0x4] =	wrdreg $0x9  }
0xb2: {  	_ =	task.clear_ibuf [dreg:s8], $0x5FFFF;
	_ =	strace $0x90000046  }
0xb3: {  	s29 =	simm.s32 $0x9;
	_ =	strace $0x80000048  }
0xb4: {  	_ =	swait.ge [sflag:s29], $0x1  }
0xb5: {  	[sflag:s29] =	ssyncadd.s32 $0xFFFFFFFF  }
0xb6: {  	_ =	strace $0x90000048  }
0xb7: {  	_ =	sfence  }
0xb8: {  	s30 =	sld [smem:$0x0];
	_ =	sdelay $0x2  }
0xb9: {  	s31 =	sshll.u32 s1, $0xD;
	s1 =	sshrl.u32 s1, $0x2  }
0xba: {  	s3 =	sand.u32 $0x4000, s31;
	s1 =	sadd.s32 s1, s30  }
0xbb: {  	s0 =	sor.u32 s3, s0;
	s1 =	sshll.u32 s1, $0x11  }
0xbc: {  	s0 =	sor.u32 s1, s0  }
0xbd: {  	s0 =	sadd.s32 $0x8F2B, s0  }
0xbe: {  	[sflag:s0] =	ssyncadd.remote.s32 $0x1  }
0xbf: {  	_ =	sfence.sel $0xFFFF  }
0xc0: {  	[dreg:$0x0] =	wrdreg $0xFFFFFFFF;
	(pc) =	sbr.abs _section_cstart, $3  }
0xc1: {  	[dreg:$0x1] =	wrdreg $0xFFFFFFFF  }
0xc2: {  	_ =	task.clear_ibuf [dreg:s8], $0x2FFFF;
	_ =	strace $0x9FFFFFFF  }
0xc3: {  	(tm) =	ssettm $0x7FFFFFFF  }
tec
execute0_lowered:
.L_overlay_start_1:
0x0: {  	(tag) =	ssettag $0x1  }
0x1: {  	s0 =	srdreg.scid  }
0x2: {  	s15 =	stileid.u32;
	s1 =	rddreg [dreg:$0x0]  }
0x3: {  	s3 =	rddreg [dreg:$0x1];
	s31 =	simm.s32 $0x2;
	s18 =	simm.s32 $0x480  }
0x4: {  	s19 =	simm.s32 $0x400;
	s20 =	simm.s32 $0x380;
	p0 =	por $0x0, $0x0  }
0x5: {  	s28 =	simm.s32 $0x180;
	s0 =	sand.u32 $0x1, s0;
	s2 =	sshll.u32 s15, $0x1  }
0x6: {  	s29 =	simm.s32 $0x100;
	s30 =	simm.s32 $0x80;
	s4 =	sor.u32 s0, s2  }
0x7: {  	s2 =	simm.s32 $0x0;
	s0 =	ssub.s32 $0x2, s0;
	s5 =	sshll.u32 s4, $0x8  }
0x8: {  	[smem:$0x7FF] =	sst s2;
	s4 =	sshll.u32 s4, $0x11;
	s24 =	sshrl.u32 s0, $0x1  }
0x9: {  	s5 =	sxor.u32 $0x1F00, s5;
	_ =	strace $0x80000047;
	s4 =	sadd.s32 s3, s4  }
0xa: {  	s0 =	ssub.s32 s0, s24;
	s24 =	simm.s32 $0x700;
	s3 =	simm.s32 $0x1  }
0xb: {  	s1 =	sadd.s32 s1, s5;
	s21 =	sadd.s32 $0x2000, s4;
	s22 =	sadd.s32 $0x4000, s4  }
0xc: {  	s23 =	sadd.s32 $0x6000, s4;
	s25 =	sadd.s32 $0x8000, s4;
	s26 =	sadd.s32 $0xA000, s4  }
0xd: {  	s5 =	sadd.s32 $0xC000, s4;
	s6 =	sadd.s32 $0xE000, s4;
	s7 =	sadd.s32 $0x10000, s4  }
0xe: {  	s8 =	sadd.s32 $0x12000, s4;
	s9 =	sadd.s32 $0x14000, s4;
	[dreg:$0x3] =	wrdreg s1  }
0xf: {  	s10 =	sadd.s32 $0x16000, s4;
	s0 =	smax.u32 s0, $0x1;
	[dreg:$0x4] =	wrdreg s21  }
0x10: {  	s11 =	sadd.s32 $0x18000, s4;
	[dreg:$0x5] =	wrdreg s22;
	p1 =	sne.s32 s0, $0x1  }
.Ltmp0:
0x11: {  	s12 =	sadd.s32 $0x1A000, s4;
	[dreg:$0x6] =	wrdreg s23;
	(pc) =	sbr.rel @!p1 .LBB2_1-.Ltmp0, $4  }
0x12: {  	s13 =	sadd.s32 $0x1C000, s4;
	s14 =	sadd.s32 $0x1E000, s4;
	[dreg:$0x7] =	wrdreg s25  }
0x13: {  	[dreg:$0x8] =	wrdreg s26;
	s1 =	simm.s32 $0x780;
	s23 =	simm.s32 $0x680  }
0x14: {  	s22 =	simm.s32 $0x600;
	s21 =	simm.s32 $0x300;
	s17 =	sadd.s32 $0xFFFFFFFF, s0  }
0x15: {  	s25 =	simm.s32 $0x280;
	s26 =	simm.s32 $0x200;
	s0 =	rddreg [dreg:$0x3]  }
0x16: {  	[tilespmem:s2], [sflag:$0x2] =	stream.linear.gather [hbm4b:s0+s2], $0x10780, $0x38;
	[tilespmem:$0x10780] =	vst v63  }
0x17: {  	_ =	swait.ge [sflag:s31], $0x10780  }
0x18: {  	[sflag:s31] =	ssyncset.done $0x0  }
0x19: {  	[sflag:s31] =	ssyncadd.s32 $0xFFFEF880  }
0x1a: {  	[hbm4b:s4+s2] =	stream.linear.scatter [tilespmem:s1], [sflag:$0x1], $0x10000, $0x38;
	[tilespmem:$0x10780] =	vst v63  }
0x1b: {  	s15 =	rddreg [dreg:$0x4]  }
0x1c: {  	[hbm4b:s15+s2] =	stream.linear.scatter [tilespmem:s24], [sflag:$0x1], $0x10000, $0x38;
	[tilespmem:$0x10780] =	vst v63  }
0x1d: {  	s1 =	rddreg [dreg:$0x5]  }
0x1e: {  	[hbm4b:s1+s2] =	stream.linear.scatter [tilespmem:s23], [sflag:$0x1], $0x10000, $0x38;
	[tilespmem:$0x10780] =	vst v63  }
0x1f: {  	s15 =	rddreg [dreg:$0x6]  }
0x20: {  	[hbm4b:s15+s2] =	stream.linear.scatter [tilespmem:s22], [sflag:$0x1], $0x10000, $0x38;
	[tilespmem:$0x10780] =	vst v63  }
0x21: {  	s1 =	rddreg [dreg:$0x7];
	s15 =	simm.s32 $0x580  }
0x22: {  	[hbm4b:s1+s2] =	stream.linear.scatter [tilespmem:s15], [sflag:$0x1], $0x10000, $0x38;
	[tilespmem:$0x10780] =	vst v63  }
0x23: {  	s0 =	rddreg [dreg:$0x8];
	s15 =	simm.s32 $0x500  }
0x24: {  	[hbm4b:s0+s2] =	stream.linear.scatter [tilespmem:s15], [sflag:$0x1], $0x10000, $0x38;
	[tilespmem:$0x10780] =	vst v63  }
0x25: {  	_ = 	snop  }
0x26: {  	[hbm4b:s5+s2] =	stream.linear.scatter [tilespmem:s18], [sflag:$0x1], $0x10000, $0x38;
	[tilespmem:$0x10780] =	vst v63  }
0x27: {  	_ = 	snop  }
0x28: {  	[hbm4b:s6+s2] =	stream.linear.scatter [tilespmem:s19], [sflag:$0x1], $0x10000, $0x38;
	[tilespmem:$0x10780] =	vst v63  }
0x29: {  	_ = 	snop  }
0x2a: {  	[hbm4b:s7+s2] =	stream.linear.scatter [tilespmem:s20], [sflag:$0x1], $0x10000, $0x38;
	[tilespmem:$0x10780] =	vst v63  }
0x2b: {  	_ = 	snop  }
0x2c: {  	[hbm4b:s8+s2] =	stream.linear.scatter [tilespmem:s21], [sflag:$0x1], $0x10000, $0x38;
	[tilespmem:$0x10780] =	vst v63  }
0x2d: {  	_ = 	snop  }
0x2e: {  	[hbm4b:s9+s2] =	stream.linear.scatter [tilespmem:s25], [sflag:$0x1], $0x10000, $0x38;
	[tilespmem:$0x10780] =	vst v63  }
0x2f: {  	_ = 	snop  }
0x30: {  	[hbm4b:s10+s2] =	stream.linear.scatter [tilespmem:s26], [sflag:$0x1], $0x10000, $0x38;
	[tilespmem:$0x10780] =	vst v63  }
0x31: {  	_ = 	snop  }
0x32: {  	[hbm4b:s11+s2] =	stream.linear.scatter [tilespmem:s28], [sflag:$0x1], $0x10000, $0x38;
	[tilespmem:$0x10780] =	vst v63  }
0x33: {  	_ = 	snop  }
0x34: {  	[hbm4b:s12+s2] =	stream.linear.scatter [tilespmem:s29], [sflag:$0x1], $0x10000, $0x38;
	[tilespmem:$0x10780] =	vst v63  }
0x35: {  	_ = 	snop  }
0x36: {  	[hbm4b:s13+s2] =	stream.linear.scatter [tilespmem:s30], [sflag:$0x1], $0x10000, $0x38;
	[tilespmem:$0x10780] =	vst v63  }
0x37: {  	_ = 	snop  }
0x38: {  	[hbm4b:s14+s2] =	stream.linear.scatter [tilespmem:s2], [sflag:$0x1], $0x10000, $0x38;
	[tilespmem:$0x10780] =	vst v63  }
0x39: {  	_ =	swait.ge [sflag:s3], $0x10000  }
0x3a: {  	[sflag:s3] =	ssyncset.done $0x0  }
0x3b: {  	[sflag:s3] =	ssyncadd.s32 $0xFFFF0000  }
0x3c: {  	_ =	swait.ge [sflag:s3], $0x10000  }
0x3d: {  	[sflag:s3] =	ssyncset.done $0x0  }
0x3e: {  	[sflag:s3] =	ssyncadd.s32 $0xFFFF0000  }
0x3f: {  	_ =	swait.ge [sflag:s3], $0x10000  }
0x40: {  	[sflag:s3] =	ssyncset.done $0x0  }
0x41: {  	[sflag:s3] =	ssyncadd.s32 $0xFFFF0000  }
0x42: {  	_ =	swait.ge [sflag:s3], $0x10000  }
0x43: {  	[sflag:s3] =	ssyncset.done $0x0  }
0x44: {  	[sflag:s3] =	ssyncadd.s32 $0xFFFF0000  }
0x45: {  	_ =	swait.ge [sflag:s3], $0x10000  }
0x46: {  	[sflag:s3] =	ssyncset.done $0x0  }
0x47: {  	[sflag:s3] =	ssyncadd.s32 $0xFFFF0000  }
0x48: {  	_ =	swait.ge [sflag:s3], $0x10000  }
0x49: {  	[sflag:s3] =	ssyncset.done $0x0  }
0x4a: {  	[sflag:s3] =	ssyncadd.s32 $0xFFFF0000  }
0x4b: {  	_ =	swait.ge [sflag:s3], $0x10000  }
0x4c: {  	[sflag:s3] =	ssyncset.done $0x0  }
0x4d: {  	[sflag:s3] =	ssyncadd.s32 $0xFFFF0000  }
0x4e: {  	_ =	swait.ge [sflag:s3], $0x10000  }
0x4f: {  	[sflag:s3] =	ssyncset.done $0x0  }
0x50: {  	[sflag:s3] =	ssyncadd.s32 $0xFFFF0000  }
0x51: {  	_ =	swait.ge [sflag:s3], $0x10000  }
0x52: {  	[sflag:s3] =	ssyncset.done $0x0  }
0x53: {  	[sflag:s3] =	ssyncadd.s32 $0xFFFF0000  }
0x54: {  	_ =	swait.ge [sflag:s3], $0x10000  }
0x55: {  	[sflag:s3] =	ssyncset.done $0x0  }
0x56: {  	[sflag:s3] =	ssyncadd.s32 $0xFFFF0000  }
0x57: {  	_ =	swait.ge [sflag:s3], $0x10000  }
0x58: {  	[sflag:s3] =	ssyncset.done $0x0  }
0x59: {  	[sflag:s3] =	ssyncadd.s32 $0xFFFF0000  }
0x5a: {  	_ =	swait.ge [sflag:s3], $0x10000  }
0x5b: {  	[sflag:s3] =	ssyncset.done $0x0  }
0x5c: {  	[sflag:s3] =	ssyncadd.s32 $0xFFFF0000  }
0x5d: {  	_ =	swait.ge [sflag:s3], $0x10000  }
0x5e: {  	[sflag:s3] =	ssyncset.done $0x0  }
0x5f: {  	[sflag:s3] =	ssyncadd.s32 $0xFFFF0000  }
0x60: {  	_ =	swait.ge [sflag:s3], $0x10000  }
0x61: {  	[sflag:s3] =	ssyncset.done $0x0  }
0x62: {  	p1 =	sne.s32 s17, $0x1;
	[sflag:s3] =	ssyncadd.s32 $0xFFFF0000  }
.Ltmp1:
0x63: {  	_ =	swait.ge [sflag:s3], $0x10000;
	(pc) =	sbr.rel @!p1 .LBB2_7-.Ltmp1, $4  }
0x64: {  	[sflag:s3] =	ssyncset.done $0x0  }
0x65: {  	[sflag:s3] =	ssyncadd.s32 $0xFFFF0000  }
0x66: {  	s16 =	simm.s32 $0x780;
	p0 =	por $0x1, $0x1;
	_ =	swait.ge [sflag:s3], $0x10000  }
0x67: {  	s1 =	sadd.s32 $0xFFFFFFFF, s17;
	s0 =	rddreg [dreg:$0x3];
	[sflag:s3] =	ssyncset.done $0x0  }
0x68: {  	s17 =	simm.s32 $0x580  }
.LBB2_4:
0x69: {  	[sflag:s3] =	ssyncadd.s32 $0xFFFF0000  }
0x6a: {  	[tilespmem:s2], [sflag:$0x2] =	stream.linear.gather [hbm4b:s0+s2], $0x10780, $0x38;
	[tilespmem:$0x10780] =	vst v63  }
0x6b: {  	_ =	swait.ge [sflag:s31], $0x10780  }
0x6c: {  	[sflag:s31] =	ssyncset.done $0x0  }
0x6d: {  	[sflag:s31] =	ssyncadd.s32 $0xFFFEF880  }
0x6e: {  	[hbm4b:s4+s2] =	stream.linear.scatter [tilespmem:s16], [sflag:$0x1], $0x10000, $0x38;
	[tilespmem:$0x10780] =	vst v63  }
0x6f: {  	s0 =	rddreg [dreg:$0x4]  }
0x70: {  	[hbm4b:s0+s2] =	stream.linear.scatter [tilespmem:s24], [sflag:$0x1], $0x10000, $0x38;
	[tilespmem:$0x10780] =	vst v63  }
0x71: {  	s15 =	rddreg [dreg:$0x5]  }
0x72: {  	[hbm4b:s15+s2] =	stream.linear.scatter [tilespmem:s23], [sflag:$0x1], $0x10000, $0x38;
	[tilespmem:$0x10780] =	vst v63  }
0x73: {  	s0 =	rddreg [dreg:$0x6]  }
0x74: {  	[hbm4b:s0+s2] =	stream.linear.scatter [tilespmem:s22], [sflag:$0x1], $0x10000, $0x38;
	[tilespmem:$0x10780] =	vst v63  }
0x75: {  	s15 =	rddreg [dreg:$0x7]  }
0x76: {  	[hbm4b:s15+s2] =	stream.linear.scatter [tilespmem:s17], [sflag:$0x1], $0x10000, $0x38;
	[tilespmem:$0x10780] =	vst v63  }
0x77: {  	s0 =	rddreg [dreg:$0x8];
	s15 =	simm.s32 $0x500  }
0x78: {  	[hbm4b:s0+s2] =	stream.linear.scatter [tilespmem:s15], [sflag:$0x1], $0x10000, $0x38;
	[tilespmem:$0x10780] =	vst v63  }
0x79: {  	_ = 	snop  }
0x7a: {  	[hbm4b:s5+s2] =	stream.linear.scatter [tilespmem:s18], [sflag:$0x1], $0x10000, $0x38;
	[tilespmem:$0x10780] =	vst v63  }
0x7b: {  	_ = 	snop  }
0x7c: {  	[hbm4b:s6+s2] =	stream.linear.scatter [tilespmem:s19], [sflag:$0x1], $0x10000, $0x38;
	[tilespmem:$0x10780] =	vst v63  }
0x7d: {  	_ = 	snop  }
0x7e: {  	[hbm4b:s7+s2] =	stream.linear.scatter [tilespmem:s20], [sflag:$0x1], $0x10000, $0x38;
	[tilespmem:$0x10780] =	vst v63  }
0x7f: {  	_ = 	snop  }
0x80: {  	[hbm4b:s8+s2] =	stream.linear.scatter [tilespmem:s21], [sflag:$0x1], $0x10000, $0x38;
	[tilespmem:$0x10780] =	vst v63  }
0x81: {  	_ = 	snop  }
0x82: {  	[hbm4b:s9+s2] =	stream.linear.scatter [tilespmem:s25], [sflag:$0x1], $0x10000, $0x38;
	[tilespmem:$0x10780] =	vst v63  }
0x83: {  	_ = 	snop  }
0x84: {  	[hbm4b:s10+s2] =	stream.linear.scatter [tilespmem:s26], [sflag:$0x1], $0x10000, $0x38;
	[tilespmem:$0x10780] =	vst v63  }
0x85: {  	_ = 	snop  }
0x86: {  	[hbm4b:s11+s2] =	stream.linear.scatter [tilespmem:s28], [sflag:$0x1], $0x10000, $0x38;
	[tilespmem:$0x10780] =	vst v63  }
0x87: {  	_ = 	snop  }
0x88: {  	[hbm4b:s12+s2] =	stream.linear.scatter [tilespmem:s29], [sflag:$0x1], $0x10000, $0x38;
	[tilespmem:$0x10780] =	vst v63  }
0x89: {  	_ = 	snop  }
0x8a: {  	[hbm4b:s13+s2] =	stream.linear.scatter [tilespmem:s30], [sflag:$0x1], $0x10000, $0x38;
	[tilespmem:$0x10780] =	vst v63  }
0x8b: {  	_ = 	snop  }
0x8c: {  	[hbm4b:s14+s2] =	stream.linear.scatter [tilespmem:s2], [sflag:$0x1], $0x10000, $0x38;
	[tilespmem:$0x10780] =	vst v63  }
0x8d: {  	_ =	swait.ge [sflag:s3], $0x10000  }
0x8e: {  	[sflag:s3] =	ssyncset.done $0x0  }
0x8f: {  	[sflag:s3] =	ssyncadd.s32 $0xFFFF0000  }
0x90: {  	_ =	swait.ge [sflag:s3], $0x10000  }
0x91: {  	[sflag:s3] =	ssyncset.done $0x0  }
0x92: {  	[sflag:s3] =	ssyncadd.s32 $0xFFFF0000  }
0x93: {  	_ =	swait.ge [sflag:s3], $0x10000  }
0x94: {  	[sflag:s3] =	ssyncset.done $0x0  }
0x95: {  	[sflag:s3] =	ssyncadd.s32 $0xFFFF0000  }
0x96: {  	_ =	swait.ge [sflag:s3], $0x10000  }
0x97: {  	[sflag:s3] =	ssyncset.done $0x0  }
0x98: {  	[sflag:s3] =	ssyncadd.s32 $0xFFFF0000  }
0x99: {  	_ =	swait.ge [sflag:s3], $0x10000  }
0x9a: {  	[sflag:s3] =	ssyncset.done $0x0  }
0x9b: {  	[sflag:s3] =	ssyncadd.s32 $0xFFFF0000  }
0x9c: {  	_ =	swait.ge [sflag:s3], $0x10000  }
0x9d: {  	[sflag:s3] =	ssyncset.done $0x0  }
0x9e: {  	[sflag:s3] =	ssyncadd.s32 $0xFFFF0000  }
0x9f: {  	_ =	swait.ge [sflag:s3], $0x10000  }
0xa0: {  	[sflag:s3] =	ssyncset.done $0x0  }
0xa1: {  	[sflag:s3] =	ssyncadd.s32 $0xFFFF0000  }
0xa2: {  	_ =	swait.ge [sflag:s3], $0x10000  }
0xa3: {  	[sflag:s3] =	ssyncset.done $0x0  }
0xa4: {  	[sflag:s3] =	ssyncadd.s32 $0xFFFF0000  }
0xa5: {  	_ =	swait.ge [sflag:s3], $0x10000  }
0xa6: {  	[sflag:s3] =	ssyncset.done $0x0  }
0xa7: {  	[sflag:s3] =	ssyncadd.s32 $0xFFFF0000  }
0xa8: {  	_ =	swait.ge [sflag:s3], $0x10000  }
0xa9: {  	[sflag:s3] =	ssyncset.done $0x0  }
0xaa: {  	[sflag:s3] =	ssyncadd.s32 $0xFFFF0000  }
0xab: {  	_ =	swait.ge [sflag:s3], $0x10000  }
0xac: {  	[sflag:s3] =	ssyncset.done $0x0  }
0xad: {  	[sflag:s3] =	ssyncadd.s32 $0xFFFF0000  }
0xae: {  	_ =	swait.ge [sflag:s3], $0x10000  }
0xaf: {  	[sflag:s3] =	ssyncset.done $0x0  }
0xb0: {  	[sflag:s3] =	ssyncadd.s32 $0xFFFF0000  }
0xb1: {  	_ =	swait.ge [sflag:s3], $0x10000  }
0xb2: {  	[sflag:s3] =	ssyncset.done $0x0  }
0xb3: {  	[sflag:s3] =	ssyncadd.s32 $0xFFFF0000  }
0xb4: {  	_ =	swait.ge [sflag:s3], $0x10000  }
0xb5: {  	[sflag:s3] =	ssyncset.done $0x0  }
0xb6: {  	p1 =	sne.s32 s1, $0x1;
	[sflag:s3] =	ssyncadd.s32 $0xFFFF0000  }
.Ltmp2:
0xb7: {  	_ =	swait.ge [sflag:s3], $0x10000;
	(pc) =	sbr.rel @p1 .LBB2_4-.Ltmp2, $4  }
0xb8: {  	[sflag:s3] =	ssyncset.done $0x0  }
0xb9: {  	[sflag:s3] =	ssyncadd.s32 $0xFFFF0000  }
0xba: {  	_ =	swait.ge [sflag:s3], $0x10000  }
0xbb: {  	s1 =	sadd.s32 $0xFFFFFFFF, s1;
	s0 =	rddreg [dreg:$0x3];
	[sflag:s3] =	ssyncset.done $0x0  }
0xbc: {  	s30 =	simm.s32 $0x80  }
0xbd: {  	s29 =	simm.s32 $0x100;
	s28 =	simm.s32 $0x180;
	s26 =	simm.s32 $0x200  }
0xbe: {  	s25 =	simm.s32 $0x280;
	s24 =	simm.s32 $0x700;
	s23 =	simm.s32 $0x680  }
0xbf: {  	s22 =	simm.s32 $0x600;
	s21 =	simm.s32 $0x300;
	s20 =	simm.s32 $0x380  }
0xc0: {  	s19 =	simm.s32 $0x400;
	s18 =	simm.s32 $0x480;
	s17 =	simm.s32 $0x500  }
0xc1: {  	s16 =	simm.s32 $0x580;
	s15 =	stileid.u32;
	s1 =	simm.s32 $0x780  }
.LBB2_6:
0xc2: {  	[sflag:s3] =	ssyncadd.s32 @p0 $0xFFFF0000  }
0xc3: {  	[tilespmem:s2], [sflag:$0x2] =	stream.linear.gather [hbm4b:s0+s2], $0x10780, $0x38;
	[tilespmem:$0x10780] =	vst v63  }
0xc4: {  	_ =	swait.ge [sflag:s31], $0x10780  }
0xc5: {  	[sflag:s31] =	ssyncset.done $0x0  }
0xc6: {  	[sflag:s31] =	ssyncadd.s32 $0xFFFEF880  }
0xc7: {  	[hbm4b:s4+s2] =	stream.linear.scatter [tilespmem:s1], [sflag:$0x1], $0x10000, $0x38;
	[tilespmem:$0x10780] =	vst v63  }
0xc8: {  	s0 =	rddreg [dreg:$0x4]  }
0xc9: {  	[hbm4b:s0+s2] =	stream.linear.scatter [tilespmem:s24], [sflag:$0x1], $0x10000, $0x38;
	[tilespmem:$0x10780] =	vst v63  }
0xca: {  	s31 =	rddreg [dreg:$0x5]  }
0xcb: {  	[hbm4b:s31+s2] =	stream.linear.scatter [tilespmem:s23], [sflag:$0x1], $0x10000, $0x38;
	[tilespmem:$0x10780] =	vst v63  }
0xcc: {  	s4 =	rddreg [dreg:$0x6]  }
0xcd: {  	[hbm4b:s4+s2] =	stream.linear.scatter [tilespmem:s22], [sflag:$0x1], $0x10000, $0x38;
	[tilespmem:$0x10780] =	vst v63  }
0xce: {  	s24 =	rddreg [dreg:$0x7]  }
0xcf: {  	[hbm4b:s24+s2] =	stream.linear.scatter [tilespmem:s16], [sflag:$0x1], $0x10000, $0x38;
	[tilespmem:$0x10780] =	vst v63  }
0xd0: {  	s31 =	rddreg [dreg:$0x8]  }
0xd1: {  	[hbm4b:s31+s2] =	stream.linear.scatter [tilespmem:s17], [sflag:$0x1], $0x10000, $0x38;
	[tilespmem:$0x10780] =	vst v63  }
0xd2: {  	_ = 	snop  }
0xd3: {  	[hbm4b:s5+s2] =	stream.linear.scatter [tilespmem:s18], [sflag:$0x1], $0x10000, $0x38;
	[tilespmem:$0x10780] =	vst v63  }
0xd4: {  	_ = 	snop  }
0xd5: {  	[hbm4b:s6+s2] =	stream.linear.scatter [tilespmem:s19], [sflag:$0x1], $0x10000, $0x38;
	[tilespmem:$0x10780] =	vst v63  }
0xd6: {  	_ = 	snop  }
0xd7: {  	[hbm4b:s7+s2] =	stream.linear.scatter [tilespmem:s20], [sflag:$0x1], $0x10000, $0x38;
	[tilespmem:$0x10780] =	vst v63  }
0xd8: {  	_ = 	snop  }
0xd9: {  	[hbm4b:s8+s2] =	stream.linear.scatter [tilespmem:s21], [sflag:$0x1], $0x10000, $0x38;
	[tilespmem:$0x10780] =	vst v63  }
0xda: {  	_ = 	snop  }
0xdb: {  	[hbm4b:s9+s2] =	stream.linear.scatter [tilespmem:s25], [sflag:$0x1], $0x10000, $0x38;
	[tilespmem:$0x10780] =	vst v63  }
0xdc: {  	_ = 	snop  }
0xdd: {  	[hbm4b:s10+s2] =	stream.linear.scatter [tilespmem:s26], [sflag:$0x1], $0x10000, $0x38;
	[tilespmem:$0x10780] =	vst v63  }
0xde: {  	_ = 	snop  }
0xdf: {  	[hbm4b:s11+s2] =	stream.linear.scatter [tilespmem:s28], [sflag:$0x1], $0x10000, $0x38;
	[tilespmem:$0x10780] =	vst v63  }
0xe0: {  	_ = 	snop  }
0xe1: {  	[hbm4b:s12+s2] =	stream.linear.scatter [tilespmem:s29], [sflag:$0x1], $0x10000, $0x38;
	[tilespmem:$0x10780] =	vst v63  }
0xe2: {  	_ = 	snop  }
0xe3: {  	[hbm4b:s13+s2] =	stream.linear.scatter [tilespmem:s30], [sflag:$0x1], $0x10000, $0x38;
	[tilespmem:$0x10780] =	vst v63  }
0xe4: {  	_ = 	snop  }
0xe5: {  	[hbm4b:s14+s2] =	stream.linear.scatter [tilespmem:s2], [sflag:$0x1], $0x10000, $0x38;
	[tilespmem:$0x10780] =	vst v63  }
0xe6: {  	_ =	swait.ge [sflag:s3], $0x10000  }
0xe7: {  	[sflag:s3] =	ssyncset.done $0x0  }
0xe8: {  	[sflag:s3] =	ssyncadd.s32 $0xFFFF0000  }
0xe9: {  	_ =	swait.ge [sflag:s3], $0x10000  }
0xea: {  	[sflag:s3] =	ssyncset.done $0x0  }
0xeb: {  	[sflag:s3] =	ssyncadd.s32 $0xFFFF0000  }
0xec: {  	_ =	swait.ge [sflag:s3], $0x10000  }
0xed: {  	[sflag:s3] =	ssyncset.done $0x0  }
0xee: {  	[sflag:s3] =	ssyncadd.s32 $0xFFFF0000  }
0xef: {  	_ =	swait.ge [sflag:s3], $0x10000  }
0xf0: {  	[sflag:s3] =	ssyncset.done $0x0  }
0xf1: {  	[sflag:s3] =	ssyncadd.s32 $0xFFFF0000  }
0xf2: {  	_ =	swait.ge [sflag:s3], $0x10000  }
0xf3: {  	[sflag:s3] =	ssyncset.done $0x0  }
0xf4: {  	[sflag:s3] =	ssyncadd.s32 $0xFFFF0000  }
0xf5: {  	_ =	swait.ge [sflag:s3], $0x10000  }
0xf6: {  	[sflag:s3] =	ssyncset.done $0x0  }
0xf7: {  	[sflag:s3] =	ssyncadd.s32 $0xFFFF0000  }
0xf8: {  	_ =	swait.ge [sflag:s3], $0x10000  }
0xf9: {  	[sflag:s3] =	ssyncset.done $0x0  }
0xfa: {  	[sflag:s3] =	ssyncadd.s32 $0xFFFF0000  }
0xfb: {  	_ =	swait.ge [sflag:s3], $0x10000  }
0xfc: {  	[sflag:s3] =	ssyncset.done $0x0  }
0xfd: {  	[sflag:s3] =	ssyncadd.s32 $0xFFFF0000  }
0xfe: {  	_ =	swait.ge [sflag:s3], $0x10000  }
0xff: {  	[sflag:s3] =	ssyncset.done $0x0  }
0x100: {  	[sflag:s3] =	ssyncadd.s32 $0xFFFF0000  }
0x101: {  	_ =	swait.ge [sflag:s3], $0x10000  }
0x102: {  	[sflag:s3] =	ssyncset.done $0x0  }
0x103: {  	[sflag:s3] =	ssyncadd.s32 $0xFFFF0000  }
0x104: {  	_ =	swait.ge [sflag:s3], $0x10000  }
0x105: {  	[sflag:s3] =	ssyncset.done $0x0  }
0x106: {  	[sflag:s3] =	ssyncadd.s32 $0xFFFF0000  }
0x107: {  	_ =	swait.ge [sflag:s3], $0x10000  }
0x108: {  	[sflag:s3] =	ssyncset.done $0x0  }
0x109: {  	[sflag:s3] =	ssyncadd.s32 $0xFFFF0000  }
0x10a: {  	_ =	swait.ge [sflag:s3], $0x10000  }
0x10b: {  	[sflag:s3] =	ssyncset.done $0x0  }
0x10c: {  	[sflag:s3] =	ssyncadd.s32 $0xFFFF0000  }
0x10d: {  	_ =	swait.ge [sflag:s3], $0x10000  }
0x10e: {  	[sflag:s3] =	ssyncset.done $0x0  }
0x10f: {  	[sflag:s3] =	ssyncadd.s32 $0xFFFF0000  }
0x110: {  	_ =	swait.ge [sflag:s3], $0x10000  }
0x111: {  	[sflag:s3] =	ssyncset.done $0x0  }
0x112: {  	[sflag:s3] =	ssyncadd.s32 $0xFFFF0000  }
0x113: {  	_ =	swait.ge [sflag:s3], $0x10000  }
0x114: {  	[sflag:s3] =	ssyncset.done $0x0  }
0x115: {  	[sflag:s3] =	ssyncadd.s32 $0xFFFF0000  }
0x116: {  	_ =	sfence.sel $0x180000  }
0x117: {  	[bflag:$0x0] =	sbarrier.arrive $0xFFFF  }
0x118: {  	_ =	strace $0x90000047  }
0x119: {  	[bflag:$0x2] =	sbarrier.arrive $0xFFFF  }
0x11a: {  	p0 =	sne.s32 s15, $0x0;
	s0 =	rddreg [dreg:$0x2]  }
0x11b: {  	s0 =	sadd.s32 @!p0 $0x100000, s0  }
0x11c: {  	[sflag:s0] =	ssyncadd.tile.s32 @!p0 $0x1;
	_ =	shalt  }
.LBB2_1:
.Ltmp3:
0x11d: {  	s30 =	simm.s32 $0x80;
	s29 =	simm.s32 $0x100;
	(pc) =	sbr.rel .LBB2_6-.Ltmp3, $4  }
0x11e: {  	s28 =	simm.s32 $0x180;
	s26 =	simm.s32 $0x200;
	s25 =	simm.s32 $0x280  }
0x11f: {  	s24 =	simm.s32 $0x700;
	s23 =	simm.s32 $0x680;
	s22 =	simm.s32 $0x600  }
0x120: {  	s21 =	simm.s32 $0x300;
	s20 =	simm.s32 $0x380;
	s19 =	simm.s32 $0x400  }
0x121: {  	s18 =	simm.s32 $0x480;
	s17 =	simm.s32 $0x500;
	s16 =	simm.s32 $0x580  }
.LBB2_7:
0x122: {  	s30 =	simm.s32 $0x80;
	s29 =	simm.s32 $0x100  }
.Ltmp4:
0x123: {  	s28 =	simm.s32 $0x180;
	s26 =	simm.s32 $0x200;
	(pc) =	sbr.rel .LBB2_6-.Ltmp4, $4  }
0x124: {  	s25 =	simm.s32 $0x280;
	s24 =	simm.s32 $0x700;
	s23 =	simm.s32 $0x680  }
0x125: {  	s22 =	simm.s32 $0x600;
	s21 =	simm.s32 $0x300;
	s20 =	simm.s32 $0x380  }
0x126: {  	s19 =	simm.s32 $0x400;
	s18 =	simm.s32 $0x480;
	s17 =	simm.s32 $0x500  }
0x127: {  	s16 =	simm.s32 $0x580;
	s15 =	stileid.u32;
	s1 =	simm.s32 $0x780  }
.Lfunc_end2:
_tile_overlayer_lowered:
.L_overlay_start_2:
0x128: {  	(tag) =	ssettag $0x2  }
0x129: {  	s0 =	rddreg [dreg:$0x0];
	s2 =	stileid.u32  }
0x12a: {  	s1 =	rddreg [dreg:$0x1];
	p0 =	sne.s32 s2, $0x0  }
0x12b: {  	s3 =	rddreg [dreg:$0x2];
	[bflag:$0x3] =	sbarrier.arrive $0xFFFF;
	s2 =	simm.s32 @!p0 $0x1C02  }
0x12c: {  	[timem:s3], [sflag:s2] =	dma.local @!p0 [hbm:s0], s1  }
0x12d: {  	s0 =	simm.s32 @!p0 $0x2  }
0x12e: {  	_ =	swait.ge @!p0 [sflag:s0], s1  }
0x12f: {  	s1 =	ssub.s32 @!p0 $0x0, s1;
	[sflag:s0] =	ssyncset.done @!p0 $0x0  }
0x130: {  	[sflag:s0] =	ssyncadd.s32 @!p0 s1  }
0x131: {  	[bflag:$0x3] =	sbarrier.arrive $0xFFFF  }
0x132: {  	_ =	shalt  }

</sc_bundles>
